<compile_context>
chip_gen: v7x
topology: tpu7x:2x2x1
jax: 0.10.2.dev20260603
libtpu: 0.0.44.dev20260713+nightly
codegen_flags: <defaults>
</compile_context>

<pallas_src>
import functools

import jax
import jax.numpy as jnp
from jax import lax
from jax.experimental import pallas as pl
from jax.experimental.pallas import tpu as pltpu
from jax.experimental.pallas import tpu_sc as plsc

N = 10000
E = 320000
D = 128
G = 64
OUT = 10

NUM_CORES = 2
NUM_TILES = 16
CHUNK = 128
NBUF = 2
E_PAD = 323584
DUMMY = N
N_ACC = 10112
ROWS_PER_TILE = N_ACC // NUM_TILES
EDGES_PER_TILE = E_PAD // (NUM_CORES * NUM_TILES)
CHUNKS_PER_TILE = EDGES_PER_TILE // CHUNK

_MESH = plsc.VectorSubcoreMesh(core_axis_name="c", subcore_axis_name="s")


HIST = 10240
HIST_SLICE = HIST // NUM_TILES


def _deg_body(dst_hbm, zeros_hbm, out_hbm,
              dst_v, hist_v, part_v, out_v, cmb_sh, sem):
    c = lax.axis_index("c")
    s = lax.axis_index("s")
    pltpu.sync_copy(zeros_hbm, hist_v)
    base = c * (E_PAD // NUM_CORES) + s * EDGES_PER_TILE
    pltpu.sync_copy(dst_hbm.at[pl.ds(base, EDGES_PER_TILE)], dst_v)
    ones16 = jnp.full((16,), 1.0, jnp.float32)

    def step(j, carry):
        idx = dst_v[pl.ds(j * 16, 16)]
        plsc.addupdate_scatter(hist_v, [idx], ones16)
        return carry

    lax.fori_loop(0, EDGES_PER_TILE // 16, step, 0)
    pltpu.sync_copy(hist_v, cmb_sh.at[pl.ds(s * HIST, HIST)])
    plsc.subcore_barrier()

    for k in range(NUM_TILES):
        pltpu.sync_copy(cmb_sh.at[pl.ds(k * HIST + s * HIST_SLICE, HIST_SLICE)],
                        part_v.at[pl.ds(k * HIST_SLICE, HIST_SLICE)])

    def combine(j, carry):
        v = part_v[pl.ds(j * 16, 16)]
        for k in range(1, NUM_TILES):
            v = v + part_v[pl.ds(k * HIST_SLICE + j * 16, 16)]
        out_v[pl.ds(j * 16, 16)] = v
        return carry

    lax.fori_loop(0, HIST_SLICE // 16, combine, 0)
    pltpu.sync_copy(out_v,
                    out_hbm.at[pl.ds(c * HIST + s * HIST_SLICE, HIST_SLICE)])


_deg_call = pl.kernel(
    _deg_body,
    out_type=jax.ShapeDtypeStruct((2 * HIST,), jnp.float32),
    mesh=_MESH,
    scratch_types=[
        pltpu.VMEM((EDGES_PER_TILE,), jnp.int32),
        pltpu.VMEM((HIST,), jnp.float32),
        pltpu.VMEM((HIST,), jnp.float32),
        pltpu.VMEM((HIST_SLICE,), jnp.float32),
        pltpu.VMEM_SHARED((NUM_TILES * HIST,), jnp.float32),
        pltpu.SemaphoreType.DMA,
    ],
    compiler_params=pltpu.CompilerParams(needs_layout_passes=False),
)


def _msg_body(h_hbm, src_hbm, dst_hbm, zeros_hbm, out_hbm,
              sidx_v, didx_v, rows_v, acc_sh, sem):
    c = lax.axis_index("c")
    s = lax.axis_index("s")
    row0 = s * ROWS_PER_TILE
    pltpu.sync_copy(zeros_hbm.at[pl.ds(row0, ROWS_PER_TILE), :],
                    acc_sh.at[pl.ds(row0, ROWS_PER_TILE), :])
    plsc.subcore_barrier()

    base = c * (E_PAD // NUM_CORES) + s * EDGES_PER_TILE

    def step(i, carry):
        e0 = base + i * CHUNK
        pltpu.sync_copy(src_hbm.at[pl.ds(e0, CHUNK)], sidx_v)
        pltpu.sync_copy(dst_hbm.at[pl.ds(e0, CHUNK)], didx_v)
        pltpu.async_copy(h_hbm.at[sidx_v], rows_v, sem).wait()
        pltpu.sync_copy(rows_v, acc_sh.at[didx_v], add=True)
        return carry

    lax.fori_loop(0, CHUNKS_PER_TILE, step, 0)
    plsc.subcore_barrier()
    pltpu.sync_copy(acc_sh.at[pl.ds(row0, ROWS_PER_TILE), :],
                    out_hbm.at[c, pl.ds(row0, ROWS_PER_TILE), :])


_msg_call = pl.kernel(
    _msg_body,
    out_type=jax.ShapeDtypeStruct((NUM_CORES, N_ACC, D), jnp.float32),
    mesh=_MESH,
    scratch_types=[
        pltpu.VMEM((CHUNK,), jnp.int32),
        pltpu.VMEM((CHUNK,), jnp.int32),
        pltpu.VMEM((CHUNK, D), jnp.float32),
        pltpu.VMEM_SHARED((N_ACC, D), jnp.float32),
        pltpu.SemaphoreType.DMA,
    ],
)


def _dinv_from(d0_ref, d1_ref):
    return lax.rsqrt(d0_ref[...] + d1_ref[...] + 1.0)


def _tc_first_body(x_ref, w_ref, d0_ref, d1_ref, o_ref):
    dinv = _dinv_from(d0_ref, d1_ref)
    o_ref[...] = jnp.dot(x_ref[...], w_ref[...],
                         preferred_element_type=jnp.float32) * dinv


def _tc_mid_body(acc_ref, hp_ref, d0_ref, d1_ref, b_ref, w_ref, o_ref):
    dinv = _dinv_from(d0_ref, d1_ref)
    agg = (acc_ref[0, :N, :] + acc_ref[1, :N, :] + hp_ref[...]) * dinv
    h = jnp.maximum(agg + b_ref[...], 0.0)
    o_ref[...] = jnp.dot(h, w_ref[...],
                         preferred_element_type=jnp.float32) * dinv


def _tc_head_body(acc_ref, hp_ref, d0_ref, d1_ref, b3_ref, batch_ref,
                  l1w_ref, l1b_ref, l2w_ref, l2b_ref, o_ref):
    dinv = _dinv_from(d0_ref, d1_ref)
    h3 = (acc_ref[0, :N, :] + acc_ref[1, :N, :] + hp_ref[...]) * dinv + b3_ref[...]
    gids = lax.broadcasted_iota(jnp.int32, (G, N), 0)
    onehot = (gids == batch_ref[...]).astype(jnp.float32)
    counts = jnp.sum(onehot, axis=1, keepdims=True)
    pooled = jnp.dot(onehot, h3, preferred_element_type=jnp.float32)
    pooled = pooled / jnp.maximum(counts, 1.0)
    z = jnp.maximum(jnp.dot(pooled, l1w_ref[...],
                            preferred_element_type=jnp.float32) + l1b_ref[...], 0.0)
    o_ref[...] = jnp.dot(z, l2w_ref[...],
                         preferred_element_type=jnp.float32) + l2b_ref[...]


_tc_first = pl.pallas_call(
    _tc_first_body, out_shape=jax.ShapeDtypeStruct((N, D), jnp.float32))
_tc_mid = pl.pallas_call(
    _tc_mid_body, out_shape=jax.ShapeDtypeStruct((N, D), jnp.float32))
_tc_head = pl.pallas_call(
    _tc_head_body, out_shape=jax.ShapeDtypeStruct((G, OUT), jnp.float32))


@jax.jit
def kernel(x, edge_index, batch, W1, b1, W2, b2, W3, b3,
           lin1_W, lin1_b, lin2_W, lin2_b):
    pad = E_PAD - E
    srcp = jnp.concatenate([edge_index[0], jnp.zeros((pad,), jnp.int32)])
    pad_rows = DUMMY + jnp.arange(pad, dtype=jnp.int32) % (N_ACC - N)
    dstp = jnp.concatenate([edge_index[1], pad_rows])
    zeros128 = jnp.zeros((N_ACC, D), jnp.float32)
    deg_flat = _deg_call(dstp, jnp.zeros((HIST,), jnp.float32))
    d0 = deg_flat[:N].reshape(N, 1)
    d1 = deg_flat[HIST:HIST + N].reshape(N, 1)
    h1p = _tc_first(x, W1, d0, d1)
    acc1 = _msg_call(h1p, srcp, dstp, zeros128)
    h2p = _tc_mid(acc1, h1p, d0, d1, b1.reshape(1, D), W2)
    acc2 = _msg_call(h2p, srcp, dstp, zeros128)
    h3p = _tc_mid(acc2, h2p, d0, d1, b2.reshape(1, D), W3)
    acc3 = _msg_call(h3p, srcp, dstp, zeros128)
    return _tc_head(acc3, h3p, d0, d1, b3.reshape(1, D), batch.reshape(1, N),
                    lin1_W, lin1_b.reshape(1, D), lin2_W,
                    lin2_b.reshape(1, OUT))

# --- scband reference (transcript-rebuilt; emitter-appended) ---
"""Pipeline reference for scband-graph-classification-model-79714593014205 (READ-ONLY COPY).

The authoritative reference and input builder live on the scoring server;
editing this copy changes nothing except your own understanding.
"""

import jax, jax.numpy as jnp
import numpy as np

N = 10000
E = 320000
D_IN = 128
H = 128
OUT = 10
G = 64


def _glorot(key, shape):
    fan = (2.0 / (shape[0] + shape[1])) ** 0.5
    return jax.random.normal(key, shape, dtype=jnp.float32) * fan


def setup_inputs(seed: int = 0) -> dict:
    key = jax.random.key(seed)
    ks = jax.random.split(key, 12)
    x = jax.random.normal(ks[0], (N, D_IN), dtype=jnp.float32)
    edge_index = jax.random.randint(ks[1], (2, E), 0, N, dtype=jnp.int32)
    batch = jnp.sort(jax.random.randint(ks[2], (N,), 0, G, dtype=jnp.int32))
    W1 = _glorot(ks[3], (D_IN, H)); b1 = jnp.zeros((H,), jnp.float32)
    W2 = _glorot(ks[4], (H, H)); b2 = jnp.zeros((H,), jnp.float32)
    W3 = _glorot(ks[5], (H, H)); b3 = jnp.zeros((H,), jnp.float32)
    lin1_W = _glorot(ks[6], (H, H)); lin1_b = jnp.zeros((H,), jnp.float32)
    lin2_W = _glorot(ks[7], (H, OUT)); lin2_b = jnp.zeros((OUT,), jnp.float32)
    return {"x": x, "edge_index": edge_index, "batch": batch,
            "W1": W1, "b1": b1, "W2": W2, "b2": b2, "W3": W3, "b3": b3,
            "lin1_W": lin1_W, "lin1_b": lin1_b, "lin2_W": lin2_W, "lin2_b": lin2_b}


def _gcn_conv(x, W, b, src, dst, norm, n):
    h = x @ W
    msg = h[src] * norm[:, None]
    agg = jax.ops.segment_sum(msg, dst, num_segments=n)
    return agg + b


def reference(x, edge_index, batch, W1, b1, W2, b2, W3, b3, lin1_W, lin1_b, lin2_W, lin2_b):
    n = x.shape[0]
    loop = jnp.arange(n, dtype=edge_index.dtype)
    src = jnp.concatenate([edge_index[0], loop])
    dst = jnp.concatenate([edge_index[1], loop])
    deg = jax.ops.segment_sum(jnp.ones_like(src, dtype=x.dtype), dst, num_segments=n)
    dinv = jnp.where(deg > 0, jax.lax.rsqrt(jnp.maximum(deg, 1e-12)), 0.0)
    norm = dinv[src] * dinv[dst]
    h = jax.nn.relu(_gcn_conv(x, W1, b1, src, dst, norm, n))
    h = jax.nn.relu(_gcn_conv(h, W2, b2, src, dst, norm, n))
    h = _gcn_conv(h, W3, b3, src, dst, norm, n)
    counts = jax.ops.segment_sum(jnp.ones((n,), x.dtype), batch, num_segments=G)
    pooled = jax.ops.segment_sum(h, batch, num_segments=G) / jnp.maximum(counts, 1.0)[:, None]
    z = jax.nn.relu(pooled @ lin1_W + lin1_b)
    return z @ lin2_W + lin2_b

if __name__ == "__main__":
    import jax
    _d = setup_inputs()
    print(jax.jit(kernel)(*tuple(_d.values())))

</pallas_src>

<mosaic_0001>
#map = affine_map<(d0, d1) -> (0)>
module attributes {stable_mosaic.version = 14 : i64} {
  func.func @_deg_body(%arg0: i32, %arg1: i32, %arg2: memref<323584xi32, #tpu.memory_space<hbm>>, %arg3: memref<10240xf32, #tpu.memory_space<hbm>>, %arg4: memref<20480xf32, #tpu.memory_space<hbm>>, %arg5: memref<10112xi32, #tpu.memory_space<vmem>>, %arg6: memref<10240xf32, #tpu.memory_space<vmem>>, %arg7: memref<10240xf32, #tpu.memory_space<vmem>>, %arg8: memref<640xf32, #tpu.memory_space<vmem>>, %arg9: memref<163840xf32, #tpu.memory_space<vmem_shared>>, %arg10: memref<!tpu.dma_semaphore, #tpu.memory_space<semaphore_mem>>) attributes {dimension_semantics = [#tpu.dimension_semantics<core_parallel>, #tpu.dimension_semantics<subcore_parallel>], iteration_bounds = array<i64: 2, 16>, scalar_prefetch = 0 : i64, scratch_operands = 6 : i64, tpu.core_type = #tpu.core_type<sc_vector_subcore>, window_params = [{transform_indices = #map}, {transform_indices = #map}, {transform_indices = #map}]} {
    "tpu.region"() ({
      %run_scoped3A = tpu.sem_alloc : memref<!tpu.dma_semaphore, #tpu.memory_space<semaphore_mem>>
      tpu.enqueue_dma source(%arg3 : memref<10240xf32, #tpu.memory_space<hbm>>) target(%arg6 : memref<10240xf32, #tpu.memory_space<vmem>>) target_semaphore(%run_scoped3A : memref<!tpu.dma_semaphore, #tpu.memory_space<semaphore_mem>>)
      tpu.wait_dma2 semaphore(%run_scoped3A : memref<!tpu.dma_semaphore, #tpu.memory_space<semaphore_mem>>) src(%arg3 : memref<10240xf32, #tpu.memory_space<hbm>>) dst(%arg6 : memref<10240xf32, #tpu.memory_space<vmem>>)
      tpu.yield
    }) : () -> ()
    %mul3A = arith.constant 161792 : i32
    %mul3A_0 = arith.muli %arg0, %mul3A : i32
    %mul3A_1 = arith.constant 10112 : i32
    %mul3A_2 = arith.muli %arg1, %mul3A_1 : i32
    %add3A = arith.addi %mul3A_0, %mul3A_2 : i32
    "tpu.region"() ({
      %run_scoped3A = tpu.sem_alloc : memref<!tpu.dma_semaphore, #tpu.memory_space<semaphore_mem>>
      %dma_start3A = tpu.memref_slice %arg2[%add3A] : memref<323584xi32, #tpu.memory_space<hbm>> -> memref<10112xi32, #tpu.memory_space<hbm>>
      %dma_start3A_86 = tpu.memref_slice %arg2[%add3A] : memref<323584xi32, #tpu.memory_space<hbm>> -> memref<10112xi32, #tpu.memory_space<hbm>>
      tpu.enqueue_dma source(%dma_start3A_86 : memref<10112xi32, #tpu.memory_space<hbm>>) target(%arg5 : memref<10112xi32, #tpu.memory_space<vmem>>) target_semaphore(%run_scoped3A : memref<!tpu.dma_semaphore, #tpu.memory_space<semaphore_mem>>)
      %dma_wait3A = tpu.memref_slice %arg2[%add3A] : memref<323584xi32, #tpu.memory_space<hbm>> -> memref<10112xi32, #tpu.memory_space<hbm>>
      %dma_wait3A_87 = tpu.memref_slice %arg2[%add3A] : memref<323584xi32, #tpu.memory_space<hbm>> -> memref<10112xi32, #tpu.memory_space<hbm>>
      tpu.wait_dma2 semaphore(%run_scoped3A : memref<!tpu.dma_semaphore, #tpu.memory_space<semaphore_mem>>) src(%dma_wait3A_87 : memref<10112xi32, #tpu.memory_space<hbm>>) dst(%arg5 : memref<10112xi32, #tpu.memory_space<vmem>>)
      tpu.yield
    }) : () -> ()
    %broadcast_in_dim3A = arith.constant 1.000000e+00 : f32
    %broadcast_in_dim3A_3 = vector.broadcast %broadcast_in_dim3A : f32 to vector<16xf32>
    %scan3A = arith.constant 0 : i32
    %scan3A_4 = arith.constant 0 : i32
    %scan3A_5 = arith.constant 632 : i32
    %scan3A_6 = arith.addi %scan3A_4, %scan3A_5 : i32
    %scan3A_7 = arith.constant 1 : i32
    scf.for %scan3A_86 = %scan3A_4 to %scan3A_6 step %scan3A_7  : i32 {
      %mul3A_87 = arith.constant 16 : i32
      %mul3A_88 = arith.muli %scan3A_86, %mul3A_87 : i32
      %get3A = arith.index_cast %mul3A_88 : i32 to index
      %get3A_89 = tpu.vector_load %arg5[%get3A] {strides = array<i32>} : memref<10112xi32, #tpu.memory_space<vmem>>, vector<16xi32>,
      tpu.vector_store_idx %arg6[%get3A_89], %broadcast_in_dim3A_3 {add = true} : memref<10240xf32, #tpu.memory_space<vmem>>[vector<16xi32>], vector<16xf32>,
    }
    %scan3A_8 = arith.constant 632 : i32
    %mul3A_9 = arith.constant 10240 : i32
    %mul3A_10 = arith.muli %arg1, %mul3A_9 : i32
    "tpu.region"() ({
      %run_scoped3A = tpu.sem_alloc : memref<!tpu.dma_semaphore, #tpu.memory_space<semaphore_mem>>
      %dma_start3A = tpu.memref_slice %arg9[%mul3A_10] : memref<163840xf32, #tpu.memory_space<vmem_shared>> -> memref<10240xf32, #tpu.memory_space<vmem_shared>>
      %dma_start3A_86 = tpu.memref_slice %arg9[%mul3A_10] : memref<163840xf32, #tpu.memory_space<vmem_shared>> -> memref<10240xf32, #tpu.memory_space<vmem_shared>>
      tpu.enqueue_dma source(%arg6 : memref<10240xf32, #tpu.memory_space<vmem>>) target(%dma_start3A_86 : memref<10240xf32, #tpu.memory_space<vmem_shared>>) target_semaphore(%run_scoped3A : memref<!tpu.dma_semaphore, #tpu.memory_space<semaphore_mem>>)
      %dma_wait3A = tpu.memref_slice %arg9[%mul3A_10] : memref<163840xf32, #tpu.memory_space<vmem_shared>> -> memref<10240xf32, #tpu.memory_space<vmem_shared>>
      %dma_wait3A_87 = tpu.memref_slice %arg9[%mul3A_10] : memref<163840xf32, #tpu.memory_space<vmem_shared>> -> memref<10240xf32, #tpu.memory_space<vmem_shared>>
      tpu.wait_dma2 semaphore(%run_scoped3A : memref<!tpu.dma_semaphore, #tpu.memory_space<semaphore_mem>>) src(%arg6 : memref<10240xf32, #tpu.memory_space<vmem>>) dst(%dma_wait3A_87 : memref<10240xf32, #tpu.memory_space<vmem_shared>>)
      tpu.yield
    }) : () -> ()
    %barrier3A = arith.constant 0 : index
    tpu.barrier barrier_id(%barrier3A)
    %mul3A_11 = arith.constant 640 : i32
    %mul3A_12 = arith.muli %arg1, %mul3A_11 : i32
    %add3A_13 = arith.constant 0 : i32
    %add3A_14 = arith.addi %add3A_13, %mul3A_12 : i32
    "tpu.region"() ({
      %run_scoped3A = tpu.sem_alloc : memref<!tpu.dma_semaphore, #tpu.memory_space<semaphore_mem>>
      %dma_start3A = arith.constant 0 : i32
      %dma_start3A_86 = tpu.memref_slice %arg7[%dma_start3A] : memref<10240xf32, #tpu.memory_space<vmem>> -> memref<640xf32, #tpu.memory_space<vmem>>
      %dma_start3A_87 = tpu.memref_slice %arg9[%add3A_14] : memref<163840xf32, #tpu.memory_space<vmem_shared>> -> memref<640xf32, #tpu.memory_space<vmem_shared>>
      %dma_start3A_88 = arith.constant 0 : i32
      %dma_start3A_89 = tpu.memref_slice %arg7[%dma_start3A_88] : memref<10240xf32, #tpu.memory_space<vmem>> -> memref<640xf32, #tpu.memory_space<vmem>>
      %dma_start3A_90 = tpu.memref_slice %arg9[%add3A_14] : memref<163840xf32, #tpu.memory_space<vmem_shared>> -> memref<640xf32, #tpu.memory_space<vmem_shared>>
      tpu.enqueue_dma source(%dma_start3A_90 : memref<640xf32, #tpu.memory_space<vmem_shared>>) target(%dma_start3A_89 : memref<640xf32, #tpu.memory_space<vmem>>) target_semaphore(%run_scoped3A : memref<!tpu.dma_semaphore, #tpu.memory_space<semaphore_mem>>)
      %dma_wait3A = arith.constant 0 : i32
      %dma_wait3A_91 = tpu.memref_slice %arg7[%dma_wait3A] : memref<10240xf32, #tpu.memory_space<vmem>> -> memref<640xf32, #tpu.memory_space<vmem>>
      %dma_wait3A_92 = tpu.memref_slice %arg9[%add3A_14] : memref<163840xf32, #tpu.memory_space<vmem_shared>> -> memref<640xf32, #tpu.memory_space<vmem_shared>>
      %dma_wait3A_93 = arith.constant 0 : i32
      %dma_wait3A_94 = tpu.memref_slice %arg7[%dma_wait3A_93] : memref<10240xf32, #tpu.memory_space<vmem>> -> memref<640xf32, #tpu.memory_space<vmem>>
      %dma_wait3A_95 = tpu.memref_slice %arg9[%add3A_14] : memref<163840xf32, #tpu.memory_space<vmem_shared>> -> memref<640xf32, #tpu.memory_space<vmem_shared>>
      tpu.wait_dma2 semaphore(%run_scoped3A : memref<!tpu.dma_semaphore, #tpu.memory_space<semaphore_mem>>) src(%dma_wait3A_95 : memref<640xf32, #tpu.memory_space<vmem_shared>>) dst(%dma_wait3A_94 : memref<640xf32, #tpu.memory_space<vmem>>)
      tpu.yield
    }) : () -> ()
    %mul3A_15 = arith.constant 640 : i32
    %mul3A_16 = arith.muli %arg1, %mul3A_15 : i32
    %add3A_17 = arith.constant 10240 : i32
    %add3A_18 = arith.addi %add3A_17, %mul3A_16 : i32
    "tpu.region"() ({
      %run_scoped3A = tpu.sem_alloc : memref<!tpu.dma_semaphore, #tpu.memory_space<semaphore_mem>>
      %dma_start3A = arith.constant 640 : i32
      %dma_start3A_86 = tpu.memref_slice %arg7[%dma_start3A] : memref<10240xf32, #tpu.memory_space<vmem>> -> memref<640xf32, #tpu.memory_space<vmem>>
      %dma_start3A_87 = tpu.memref_slice %arg9[%add3A_18] : memref<163840xf32, #tpu.memory_space<vmem_shared>> -> memref<640xf32, #tpu.memory_space<vmem_shared>>
      %dma_start3A_88 = arith.constant 640 : i32
      %dma_start3A_89 = tpu.memref_slice %arg7[%dma_start3A_88] : memref<10240xf32, #tpu.memory_space<vmem>> -> memref<640xf32, #tpu.memory_space<vmem>>
      %dma_start3A_90 = tpu.memref_slice %arg9[%add3A_18] : memref<163840xf32, #tpu.memory_space<vmem_shared>> -> memref<640xf32, #tpu.memory_space<vmem_shared>>
      tpu.enqueue_dma source(%dma_start3A_90 : memref<640xf32, #tpu.memory_space<vmem_shared>>) target(%dma_start3A_89 : memref<640xf32, #tpu.memory_space<vmem>>) target_semaphore(%run_scoped3A : memref<!tpu.dma_semaphore, #tpu.memory_space<semaphore_mem>>)
      %dma_wait3A = arith.constant 640 : i32
      %dma_wait3A_91 = tpu.memref_slice %arg7[%dma_wait3A] : memref<10240xf32, #tpu.memory_space<vmem>> -> memref<640xf32, #tpu.memory_space<vmem>>
      %dma_wait3A_92 = tpu.memref_slice %arg9[%add3A_18] : memref<163840xf32, #tpu.memory_space<vmem_shared>> -> memref<640xf32, #tpu.memory_space<vmem_shared>>
      %dma_wait3A_93 = arith.constant 640 : i32
      %dma_wait3A_94 = tpu.memref_slice %arg7[%dma_wait3A_93] : memref<10240xf32, #tpu.memory_space<vmem>> -> memref<640xf32, #tpu.memory_space<vmem>>
      %dma_wait3A_95 = tpu.memref_slice %arg9[%add3A_18] : memref<163840xf32, #tpu.memory_space<vmem_shared>> -> memref<640xf32, #tpu.memory_space<vmem_shared>>
      tpu.wait_dma2 semaphore(%run_scoped3A : memref<!tpu.dma_semaphore, #tpu.memory_space<semaphore_mem>>) src(%dma_wait3A_95 : memref<640xf32, #tpu.memory_space<vmem_shared>>) dst(%dma_wait3A_94 : memref<640xf32, #tpu.memory_space<vmem>>)
      tpu.yield
    }) : () -> ()
    %mul3A_19 = arith.constant 640 : i32
    %mul3A_20 = arith.muli %arg1, %mul3A_19 : i32
    %add3A_21 = arith.constant 20480 : i32
    %add3A_22 = arith.addi %add3A_21, %mul3A_20 : i32
    "tpu.region"() ({
      %run_scoped3A = tpu.sem_alloc : memref<!tpu.dma_semaphore, #tpu.memory_space<semaphore_mem>>
      %dma_start3A = arith.constant 1280 : i32
      %dma_start3A_86 = tpu.memref_slice %arg7[%dma_start3A] : memref<10240xf32, #tpu.memory_space<vmem>> -> memref<640xf32, #tpu.memory_space<vmem>>
      %dma_start3A_87 = tpu.memref_slice %arg9[%add3A_22] : memref<163840xf32, #tpu.memory_space<vmem_shared>> -> memref<640xf32, #tpu.memory_space<vmem_shared>>
      %dma_start3A_88 = arith.constant 1280 : i32
      %dma_start3A_89 = tpu.memref_slice %arg7[%dma_start3A_88] : memref<10240xf32, #tpu.memory_space<vmem>> -> memref<640xf32, #tpu.memory_space<vmem>>
      %dma_start3A_90 = tpu.memref_slice %arg9[%add3A_22] : memref<163840xf32, #tpu.memory_space<vmem_shared>> -> memref<640xf32, #tpu.memory_space<vmem_shared>>
      tpu.enqueue_dma source(%dma_start3A_90 : memref<640xf32, #tpu.memory_space<vmem_shared>>) target(%dma_start3A_89 : memref<640xf32, #tpu.memory_space<vmem>>) target_semaphore(%run_scoped3A : memref<!tpu.dma_semaphore, #tpu.memory_space<semaphore_mem>>)
      %dma_wait3A = arith.constant 1280 : i32
      %dma_wait3A_91 = tpu.memref_slice %arg7[%dma_wait3A] : memref<10240xf32, #tpu.memory_space<vmem>> -> memref<640xf32, #tpu.memory_space<vmem>>
      %dma_wait3A_92 = tpu.memref_slice %arg9[%add3A_22] : memref<163840xf32, #tpu.memory_space<vmem_shared>> -> memref<640xf32, #tpu.memory_space<vmem_shared>>
      %dma_wait3A_93 = arith.constant 1280 : i32
      %dma_wait3A_94 = tpu.memref_slice %arg7[%dma_wait3A_93] : memref<10240xf32, #tpu.memory_space<vmem>> -> memref<640xf32, #tpu.memory_space<vmem>>
      %dma_wait3A_95 = tpu.memref_slice %arg9[%add3A_22] : memref<163840xf32, #tpu.memory_space<vmem_shared>> -> memref<640xf32, #tpu.memory_space<vmem_shared>>
      tpu.wait_dma2 semaphore(%run_scoped3A : memref<!tpu.dma_semaphore, #tpu.memory_space<semaphore_mem>>) src(%dma_wait3A_95 : memref<640xf32, #tpu.memory_space<vmem_shared>>) dst(%dma_wait3A_94 : memref<640xf32, #tpu.memory_space<vmem>>)
      tpu.yield
    }) : () -> ()
    %mul3A_23 = arith.constant 640 : i32
    %mul3A_24 = arith.muli %arg1, %mul3A_23 : i32
    %add3A_25 = arith.constant 30720 : i32
    %add3A_26 = arith.addi %add3A_25, %mul3A_24 : i32
    "tpu.region"() ({
      %run_scoped3A = tpu.sem_alloc : memref<!tpu.dma_semaphore, #tpu.memory_space<semaphore_mem>>
      %dma_start3A = arith.constant 1920 : i32
      %dma_start3A_86 = tpu.memref_slice %arg7[%dma_start3A] : memref<10240xf32, #tpu.memory_space<vmem>> -> memref<640xf32, #tpu.memory_space<vmem>>
      %dma_start3A_87 = tpu.memref_slice %arg9[%add3A_26] : memref<163840xf32, #tpu.memory_space<vmem_shared>> -> memref<640xf32, #tpu.memory_space<vmem_shared>>
      %dma_start3A_88 = arith.constant 1920 : i32
      %dma_start3A_89 = tpu.memref_slice %arg7[%dma_start3A_88] : memref<10240xf32, #tpu.memory_space<vmem>> -> memref<640xf32, #tpu.memory_space<vmem>>
      %dma_start3A_90 = tpu.memref_slice %arg9[%add3A_26] : memref<163840xf32, #tpu.memory_space<vmem_shared>> -> memref<640xf32, #tpu.memory_space<vmem_shared>>
      tpu.enqueue_dma source(%dma_start3A_90 : memref<640xf32, #tpu.memory_space<vmem_shared>>) target(%dma_start3A_89 : memref<640xf32, #tpu.memory_space<vmem>>) target_semaphore(%run_scoped3A : memref<!tpu.dma_semaphore, #tpu.memory_space<semaphore_mem>>)
      %dma_wait3A = arith.constant 1920 : i32
      %dma_wait3A_91 = tpu.memref_slice %arg7[%dma_wait3A] : memref<10240xf32, #tpu.memory_space<vmem>> -> memref<640xf32, #tpu.memory_space<vmem>>
      %dma_wait3A_92 = tpu.memref_slice %arg9[%add3A_26] : memref<163840xf32, #tpu.memory_space<vmem_shared>> -> memref<640xf32, #tpu.memory_space<vmem_shared>>
      %dma_wait3A_93 = arith.constant 1920 : i32
      %dma_wait3A_94 = tpu.memref_slice %arg7[%dma_wait3A_93] : memref<10240xf32, #tpu.memory_space<vmem>> -> memref<640xf32, #tpu.memory_space<vmem>>
      %dma_wait3A_95 = tpu.memref_slice %arg9[%add3A_26] : memref<163840xf32, #tpu.memory_space<vmem_shared>> -> memref<640xf32, #tpu.memory_space<vmem_shared>>
      tpu.wait_dma2 semaphore(%run_scoped3A : memref<!tpu.dma_semaphore, #tpu.memory_space<semaphore_mem>>) src(%dma_wait3A_95 : memref<640xf32, #tpu.memory_space<vmem_shared>>) dst(%dma_wait3A_94 : memref<640xf32, #tpu.memory_space<vmem>>)
      tpu.yield
    }) : () -> ()
    %mul3A_27 = arith.constant 640 : i32
    %mul3A_28 = arith.muli %arg1, %mul3A_27 : i32
    %add3A_29 = arith.constant 40960 : i32
    %add3A_30 = arith.addi %add3A_29, %mul3A_28 : i32
    "tpu.region"() ({
      %run_scoped3A = tpu.sem_alloc : memref<!tpu.dma_semaphore, #tpu.memory_space<semaphore_mem>>
      %dma_start3A = arith.constant 2560 : i32
      %dma_start3A_86 = tpu.memref_slice %arg7[%dma_start3A] : memref<10240xf32, #tpu.memory_space<vmem>> -> memref<640xf32, #tpu.memory_space<vmem>>
      %dma_start3A_87 = tpu.memref_slice %arg9[%add3A_30] : memref<163840xf32, #tpu.memory_space<vmem_shared>> -> memref<640xf32, #tpu.memory_space<vmem_shared>>
      %dma_start3A_88 = arith.constant 2560 : i32
      %dma_start3A_89 = tpu.memref_slice %arg7[%dma_start3A_88] : memref<10240xf32, #tpu.memory_space<vmem>> -> memref<640xf32, #tpu.memory_space<vmem>>
      %dma_start3A_90 = tpu.memref_slice %arg9[%add3A_30] : memref<163840xf32, #tpu.memory_space<vmem_shared>> -> memref<640xf32, #tpu.memory_space<vmem_shared>>
      tpu.enqueue_dma source(%dma_start3A_90 : memref<640xf32, #tpu.memory_space<vmem_shared>>) target(%dma_start3A_89 : memref<640xf32, #tpu.memory_space<vmem>>) target_semaphore(%run_scoped3A : memref<!tpu.dma_semaphore, #tpu.memory_space<semaphore_mem>>)
      %dma_wait3A = arith.constant 2560 : i32
      %dma_wait3A_91 = tpu.memref_slice %arg7[%dma_wait3A] : memref<10240xf32, #tpu.memory_space<vmem>> -> memref<640xf32, #tpu.memory_space<vmem>>
      %dma_wait3A_92 = tpu.memref_slice %arg9[%add3A_30] : memref<163840xf32, #tpu.memory_space<vmem_shared>> -> memref<640xf32, #tpu.memory_space<vmem_shared>>
      %dma_wait3A_93 = arith.constant 2560 : i32
      %dma_wait3A_94 = tpu.memref_slice %arg7[%dma_wait3A_93] : memref<10240xf32, #tpu.memory_space<vmem>> -> memref<640xf32, #tpu.memory_space<vmem>>
      %dma_wait3A_95 = tpu.memref_slice %arg9[%add3A_30] : memref<163840xf32, #tpu.memory_space<vmem_shared>> -> memref<640xf32, #tpu.memory_space<vmem_shared>>
      tpu.wait_dma2 semaphore(%run_scoped3A : memref<!tpu.dma_semaphore, #tpu.memory_space<semaphore_mem>>) src(%dma_wait3A_95 : memref<640xf32, #tpu.memory_space<vmem_shared>>) dst(%dma_wait3A_94 : memref<640xf32, #tpu.memory_space<vmem>>)
      tpu.yield
    }) : () -> ()
    %mul3A_31 = arith.constant 640 : i32
    %mul3A_32 = arith.muli %arg1, %mul3A_31 : i32
    %add3A_33 = arith.constant 51200 : i32
    %add3A_34 = arith.addi %add3A_33, %mul3A_32 : i32
    "tpu.region"() ({
      %run_scoped3A = tpu.sem_alloc : memref<!tpu.dma_semaphore, #tpu.memory_space<semaphore_mem>>
      %dma_start3A = arith.constant 3200 : i32
      %dma_start3A_86 = tpu.memref_slice %arg7[%dma_start3A] : memref<10240xf32, #tpu.memory_space<vmem>> -> memref<640xf32, #tpu.memory_space<vmem>>
      %dma_start3A_87 = tpu.memref_slice %arg9[%add3A_34] : memref<163840xf32, #tpu.memory_space<vmem_shared>> -> memref<640xf32, #tpu.memory_space<vmem_shared>>
      %dma_start3A_88 = arith.constant 3200 : i32
      %dma_start3A_89 = tpu.memref_slice %arg7[%dma_start3A_88] : memref<10240xf32, #tpu.memory_space<vmem>> -> memref<640xf32, #tpu.memory_space<vmem>>
      %dma_start3A_90 = tpu.memref_slice %arg9[%add3A_34] : memref<163840xf32, #tpu.memory_space<vmem_shared>> -> memref<640xf32, #tpu.memory_space<vmem_shared>>
      tpu.enqueue_dma source(%dma_start3A_90 : memref<640xf32, #tpu.memory_space<vmem_shared>>) target(%dma_start3A_89 : memref<640xf32, #tpu.memory_space<vmem>>) target_semaphore(%run_scoped3A : memref<!tpu.dma_semaphore, #tpu.memory_space<semaphore_mem>>)
      %dma_wait3A = arith.constant 3200 : i32
      %dma_wait3A_91 = tpu.memref_slice %arg7[%dma_wait3A] : memref<10240xf32, #tpu.memory_space<vmem>> -> memref<640xf32, #tpu.memory_space<vmem>>
      %dma_wait3A_92 = tpu.memref_slice %arg9[%add3A_34] : memref<163840xf32, #tpu.memory_space<vmem_shared>> -> memref<640xf32, #tpu.memory_space<vmem_shared>>
      %dma_wait3A_93 = arith.constant 3200 : i32
      %dma_wait3A_94 = tpu.memref_slice %arg7[%dma_wait3A_93] : memref<10240xf32, #tpu.memory_space<vmem>> -> memref<640xf32, #tpu.memory_space<vmem>>
      %dma_wait3A_95 = tpu.memref_slice %arg9[%add3A_34] : memref<163840xf32, #tpu.memory_space<vmem_shared>> -> memref<640xf32, #tpu.memory_space<vmem_shared>>
      tpu.wait_dma2 semaphore(%run_scoped3A : memref<!tpu.dma_semaphore, #tpu.memory_space<semaphore_mem>>) src(%dma_wait3A_95 : memref<640xf32, #tpu.memory_space<vmem_shared>>) dst(%dma_wait3A_94 : memref<640xf32, #tpu.memory_space<vmem>>)
      tpu.yield
    }) : () -> ()
    %mul3A_35 = arith.constant 640 : i32
    %mul3A_36 = arith.muli %arg1, %mul3A_35 : i32
    %add3A_37 = arith.constant 61440 : i32
    %add3A_38 = arith.addi %add3A_37, %mul3A_36 : i32
    "tpu.region"() ({
      %run_scoped3A = tpu.sem_alloc : memref<!tpu.dma_semaphore, #tpu.memory_space<semaphore_mem>>
      %dma_start3A = arith.constant 3840 : i32
      %dma_start3A_86 = tpu.memref_slice %arg7[%dma_start3A] : memref<10240xf32, #tpu.memory_space<vmem>> -> memref<640xf32, #tpu.memory_space<vmem>>
      %dma_start3A_87 = tpu.memref_slice %arg9[%add3A_38] : memref<163840xf32, #tpu.memory_space<vmem_shared>> -> memref<640xf32, #tpu.memory_space<vmem_shared>>
      %dma_start3A_88 = arith.constant 3840 : i32
      %dma_start3A_89 = tpu.memref_slice %arg7[%dma_start3A_88] : memref<10240xf32, #tpu.memory_space<vmem>> -> memref<640xf32, #tpu.memory_space<vmem>>
      %dma_start3A_90 = tpu.memref_slice %arg9[%add3A_38] : memref<163840xf32, #tpu.memory_space<vmem_shared>> -> memref<640xf32, #tpu.memory_space<vmem_shared>>
      tpu.enqueue_dma source(%dma_start3A_90 : memref<640xf32, #tpu.memory_space<vmem_shared>>) target(%dma_start3A_89 : memref<640xf32, #tpu.memory_space<vmem>>) target_semaphore(%run_scoped3A : memref<!tpu.dma_semaphore, #tpu.memory_space<semaphore_mem>>)
      %dma_wait3A = arith.constant 3840 : i32
      %dma_wait3A_91 = tpu.memref_slice %arg7[%dma_wait3A] : memref<10240xf32, #tpu.memory_space<vmem>> -> memref<640xf32, #tpu.memory_space<vmem>>
      %dma_wait3A_92 = tpu.memref_slice %arg9[%add3A_38] : memref<163840xf32, #tpu.memory_space<vmem_shared>> -> memref<640xf32, #tpu.memory_space<vmem_shared>>
      %dma_wait3A_93 = arith.constant 3840 : i32
      %dma_wait3A_94 = tpu.memref_slice %arg7[%dma_wait3A_93] : memref<10240xf32, #tpu.memory_space<vmem>> -> memref<640xf32, #tpu.memory_space<vmem>>
      %dma_wait3A_95 = tpu.memref_slice %arg9[%add3A_38] : memref<163840xf32, #tpu.memory_space<vmem_shared>> -> memref<640xf32, #tpu.memory_space<vmem_shared>>
      tpu.wait_dma2 semaphore(%run_scoped3A : memref<!tpu.dma_semaphore, #tpu.memory_space<semaphore_mem>>) src(%dma_wait3A_95 : memref<640xf32, #tpu.memory_space<vmem_shared>>) dst(%dma_wait3A_94 : memref<640xf32, #tpu.memory_space<vmem>>)
      tpu.yield
    }) : () -> ()
    %mul3A_39 = arith.constant 640 : i32
    %mul3A_40 = arith.muli %arg1, %mul3A_39 : i32
    %add3A_41 = arith.constant 71680 : i32
    %add3A_42 = arith.addi %add3A_41, %mul3A_40 : i32
    "tpu.region"() ({
      %run_scoped3A = tpu.sem_alloc : memref<!tpu.dma_semaphore, #tpu.memory_space<semaphore_mem>>
      %dma_start3A = arith.constant 4480 : i32
      %dma_start3A_86 = tpu.memref_slice %arg7[%dma_start3A] : memref<10240xf32, #tpu.memory_space<vmem>> -> memref<640xf32, #tpu.memory_space<vmem>>
      %dma_start3A_87 = tpu.memref_slice %arg9[%add3A_42] : memref<163840xf32, #tpu.memory_space<vmem_shared>> -> memref<640xf32, #tpu.memory_space<vmem_shared>>
      %dma_start3A_88 = arith.constant 4480 : i32
      %dma_start3A_89 = tpu.memref_slice %arg7[%dma_start3A_88] : memref<10240xf32, #tpu.memory_space<vmem>> -> memref<640xf32, #tpu.memory_space<vmem>>
      %dma_start3A_90 = tpu.memref_slice %arg9[%add3A_42] : memref<163840xf32, #tpu.memory_space<vmem_shared>> -> memref<640xf32, #tpu.memory_space<vmem_shared>>
      tpu.enqueue_dma source(%dma_start3A_90 : memref<640xf32, #tpu.memory_space<vmem_shared>>) target(%dma_start3A_89 : memref<640xf32, #tpu.memory_space<vmem>>) target_semaphore(%run_scoped3A : memref<!tpu.dma_semaphore, #tpu.memory_space<semaphore_mem>>)
      %dma_wait3A = arith.constant 4480 : i32
      %dma_wait3A_91 = tpu.memref_slice %arg7[%dma_wait3A] : memref<10240xf32, #tpu.memory_space<vmem>> -> memref<640xf32, #tpu.memory_space<vmem>>
      %dma_wait3A_92 = tpu.memref_slice %arg9[%add3A_42] : memref<163840xf32, #tpu.memory_space<vmem_shared>> -> memref<640xf32, #tpu.memory_space<vmem_shared>>
      %dma_wait3A_93 = arith.constant 4480 : i32
      %dma_wait3A_94 = tpu.memref_slice %arg7[%dma_wait3A_93] : memref<10240xf32, #tpu.memory_space<vmem>> -> memref<640xf32, #tpu.memory_space<vmem>>
      %dma_wait3A_95 = tpu.memref_slice %arg9[%add3A_42] : memref<163840xf32, #tpu.memory_space<vmem_shared>> -> memref<640xf32, #tpu.memory_space<vmem_shared>>
      tpu.wait_dma2 semaphore(%run_scoped3A : memref<!tpu.dma_semaphore, #tpu.memory_space<semaphore_mem>>) src(%dma_wait3A_95 : memref<640xf32, #tpu.memory_space<vmem_shared>>) dst(%dma_wait3A_94 : memref<640xf32, #tpu.memory_space<vmem>>)
      tpu.yield
    }) : () -> ()
    %mul3A_43 = arith.constant 640 : i32
    %mul3A_44 = arith.muli %arg1, %mul3A_43 : i32
    %add3A_45 = arith.constant 81920 : i32
    %add3A_46 = arith.addi %add3A_45, %mul3A_44 : i32
    "tpu.region"() ({
      %run_scoped3A = tpu.sem_alloc : memref<!tpu.dma_semaphore, #tpu.memory_space<semaphore_mem>>
      %dma_start3A = arith.constant 5120 : i32
      %dma_start3A_86 = tpu.memref_slice %arg7[%dma_start3A] : memref<10240xf32, #tpu.memory_space<vmem>> -> memref<640xf32, #tpu.memory_space<vmem>>
      %dma_start3A_87 = tpu.memref_slice %arg9[%add3A_46] : memref<163840xf32, #tpu.memory_space<vmem_shared>> -> memref<640xf32, #tpu.memory_space<vmem_shared>>
      %dma_start3A_88 = arith.constant 5120 : i32
      %dma_start3A_89 = tpu.memref_slice %arg7[%dma_start3A_88] : memref<10240xf32, #tpu.memory_space<vmem>> -> memref<640xf32, #tpu.memory_space<vmem>>
      %dma_start3A_90 = tpu.memref_slice %arg9[%add3A_46] : memref<163840xf32, #tpu.memory_space<vmem_shared>> -> memref<640xf32, #tpu.memory_space<vmem_shared>>
      tpu.enqueue_dma source(%dma_start3A_90 : memref<640xf32, #tpu.memory_space<vmem_shared>>) target(%dma_start3A_89 : memref<640xf32, #tpu.memory_space<vmem>>) target_semaphore(%run_scoped3A : memref<!tpu.dma_semaphore, #tpu.memory_space<semaphore_mem>>)
      %dma_wait3A = arith.constant 5120 : i32
      %dma_wait3A_91 = tpu.memref_slice %arg7[%dma_wait3A] : memref<10240xf32, #tpu.memory_space<vmem>> -> memref<640xf32, #tpu.memory_space<vmem>>
      %dma_wait3A_92 = tpu.memref_slice %arg9[%add3A_46] : memref<163840xf32, #tpu.memory_space<vmem_shared>> -> memref<640xf32, #tpu.memory_space<vmem_shared>>
      %dma_wait3A_93 = arith.constant 5120 : i32
      %dma_wait3A_94 = tpu.memref_slice %arg7[%dma_wait3A_93] : memref<10240xf32, #tpu.memory_space<vmem>> -> memref<640xf32, #tpu.memory_space<vmem>>
      %dma_wait3A_95 = tpu.memref_slice %arg9[%add3A_46] : memref<163840xf32, #tpu.memory_space<vmem_shared>> -> memref<640xf32, #tpu.memory_space<vmem_shared>>
      tpu.wait_dma2 semaphore(%run_scoped3A : memref<!tpu.dma_semaphore, #tpu.memory_space<semaphore_mem>>) src(%dma_wait3A_95 : memref<640xf32, #tpu.memory_space<vmem_shared>>) dst(%dma_wait3A_94 : memref<640xf32, #tpu.memory_space<vmem>>)
      tpu.yield
    }) : () -> ()
    %mul3A_47 = arith.constant 640 : i32
    %mul3A_48 = arith.muli %arg1, %mul3A_47 : i32
    %add3A_49 = arith.constant 92160 : i32
    %add3A_50 = arith.addi %add3A_49, %mul3A_48 : i32
    "tpu.region"() ({
      %run_scoped3A = tpu.sem_alloc : memref<!tpu.dma_semaphore, #tpu.memory_space<semaphore_mem>>
      %dma_start3A = arith.constant 5760 : i32
      %dma_start3A_86 = tpu.memref_slice %arg7[%dma_start3A] : memref<10240xf32, #tpu.memory_space<vmem>> -> memref<640xf32, #tpu.memory_space<vmem>>
      %dma_start3A_87 = tpu.memref_slice %arg9[%add3A_50] : memref<163840xf32, #tpu.memory_space<vmem_shared>> -> memref<640xf32, #tpu.memory_space<vmem_shared>>
      %dma_start3A_88 = arith.constant 5760 : i32
      %dma_start3A_89 = tpu.memref_slice %arg7[%dma_start3A_88] : memref<10240xf32, #tpu.memory_space<vmem>> -> memref<640xf32, #tpu.memory_space<vmem>>
      %dma_start3A_90 = tpu.memref_slice %arg9[%add3A_50] : memref<163840xf32, #tpu.memory_space<vmem_shared>> -> memref<640xf32, #tpu.memory_space<vmem_shared>>
      tpu.enqueue_dma source(%dma_start3A_90 : memref<640xf32, #tpu.memory_space<vmem_shared>>) target(%dma_start3A_89 : memref<640xf32, #tpu.memory_space<vmem>>) target_semaphore(%run_scoped3A : memref<!tpu.dma_semaphore, #tpu.memory_space<semaphore_mem>>)
      %dma_wait3A = arith.constant 5760 : i32
      %dma_wait3A_91 = tpu.memref_slice %arg7[%dma_wait3A] : memref<10240xf32, #tpu.memory_space<vmem>> -> memref<640xf32, #tpu.memory_space<vmem>>
      %dma_wait3A_92 = tpu.memref_slice %arg9[%add3A_50] : memref<163840xf32, #tpu.memory_space<vmem_shared>> -> memref<640xf32, #tpu.memory_space<vmem_shared>>
      %dma_wait3A_93 = arith.constant 5760 : i32
      %dma_wait3A_94 = tpu.memref_slice %arg7[%dma_wait3A_93] : memref<10240xf32, #tpu.memory_space<vmem>> -> memref<640xf32, #tpu.memory_space<vmem>>
      %dma_wait3A_95 = tpu.memref_slice %arg9[%add3A_50] : memref<163840xf32, #tpu.memory_space<vmem_shared>> -> memref<640xf32, #tpu.memory_space<vmem_shared>>
      tpu.wait_dma2 semaphore(%run_scoped3A : memref<!tpu.dma_semaphore, #tpu.memory_space<semaphore_mem>>) src(%dma_wait3A_95 : memref<640xf32, #tpu.memory_space<vmem_shared>>) dst(%dma_wait3A_94 : memref<640xf32, #tpu.memory_space<vmem>>)
      tpu.yield
    }) : () -> ()
    %mul3A_51 = arith.constant 640 : i32
    %mul3A_52 = arith.muli %arg1, %mul3A_51 : i32
    %add3A_53 = arith.constant 102400 : i32
    %add3A_54 = arith.addi %add3A_53, %mul3A_52 : i32
    "tpu.region"() ({
      %run_scoped3A = tpu.sem_alloc : memref<!tpu.dma_semaphore, #tpu.memory_space<semaphore_mem>>
      %dma_start3A = arith.constant 6400 : i32
      %dma_start3A_86 = tpu.memref_slice %arg7[%dma_start3A] : memref<10240xf32, #tpu.memory_space<vmem>> -> memref<640xf32, #tpu.memory_space<vmem>>
      %dma_start3A_87 = tpu.memref_slice %arg9[%add3A_54] : memref<163840xf32, #tpu.memory_space<vmem_shared>> -> memref<640xf32, #tpu.memory_space<vmem_shared>>
      %dma_start3A_88 = arith.constant 6400 : i32
      %dma_start3A_89 = tpu.memref_slice %arg7[%dma_start3A_88] : memref<10240xf32, #tpu.memory_space<vmem>> -> memref<640xf32, #tpu.memory_space<vmem>>
      %dma_start3A_90 = tpu.memref_slice %arg9[%add3A_54] : memref<163840xf32, #tpu.memory_space<vmem_shared>> -> memref<640xf32, #tpu.memory_space<vmem_shared>>
      tpu.enqueue_dma source(%dma_start3A_90 : memref<640xf32, #tpu.memory_space<vmem_shared>>) target(%dma_start3A_89 : memref<640xf32, #tpu.memory_space<vmem>>) target_semaphore(%run_scoped3A : memref<!tpu.dma_semaphore, #tpu.memory_space<semaphore_mem>>)
      %dma_wait3A = arith.constant 6400 : i32
      %dma_wait3A_91 = tpu.memref_slice %arg7[%dma_wait3A] : memref<10240xf32, #tpu.memory_space<vmem>> -> memref<640xf32, #tpu.memory_space<vmem>>
      %dma_wait3A_92 = tpu.memref_slice %arg9[%add3A_54] : memref<163840xf32, #tpu.memory_space<vmem_shared>> -> memref<640xf32, #tpu.memory_space<vmem_shared>>
      %dma_wait3A_93 = arith.constant 6400 : i32
      %dma_wait3A_94 = tpu.memref_slice %arg7[%dma_wait3A_93] : memref<10240xf32, #tpu.memory_space<vmem>> -> memref<640xf32, #tpu.memory_space<vmem>>
      %dma_wait3A_95 = tpu.memref_slice %arg9[%add3A_54] : memref<163840xf32, #tpu.memory_space<vmem_shared>> -> memref<640xf32, #tpu.memory_space<vmem_shared>>
      tpu.wait_dma2 semaphore(%run_scoped3A : memref<!tpu.dma_semaphore, #tpu.memory_space<semaphore_mem>>) src(%dma_wait3A_95 : memref<640xf32, #tpu.memory_space<vmem_shared>>) dst(%dma_wait3A_94 : memref<640xf32, #tpu.memory_space<vmem>>)
      tpu.yield
    }) : () -> ()
    %mul3A_55 = arith.constant 640 : i32
    %mul3A_56 = arith.muli %arg1, %mul3A_55 : i32
    %add3A_57 = arith.constant 112640 : i32
    %add3A_58 = arith.addi %add3A_57, %mul3A_56 : i32
    "tpu.region"() ({
      %run_scoped3A = tpu.sem_alloc : memref<!tpu.dma_semaphore, #tpu.memory_space<semaphore_mem>>
      %dma_start3A = arith.constant 7040 : i32
      %dma_start3A_86 = tpu.memref_slice %arg7[%dma_start3A] : memref<10240xf32, #tpu.memory_space<vmem>> -> memref<640xf32, #tpu.memory_space<vmem>>
      %dma_start3A_87 = tpu.memref_slice %arg9[%add3A_58] : memref<163840xf32, #tpu.memory_space<vmem_shared>> -> memref<640xf32, #tpu.memory_space<vmem_shared>>
      %dma_start3A_88 = arith.constant 7040 : i32
      %dma_start3A_89 = tpu.memref_slice %arg7[%dma_start3A_88] : memref<10240xf32, #tpu.memory_space<vmem>> -> memref<640xf32, #tpu.memory_space<vmem>>
      %dma_start3A_90 = tpu.memref_slice %arg9[%add3A_58] : memref<163840xf32, #tpu.memory_space<vmem_shared>> -> memref<640xf32, #tpu.memory_space<vmem_shared>>
      tpu.enqueue_dma source(%dma_start3A_90 : memref<640xf32, #tpu.memory_space<vmem_shared>>) target(%dma_start3A_89 : memref<640xf32, #tpu.memory_space<vmem>>) target_semaphore(%run_scoped3A : memref<!tpu.dma_semaphore, #tpu.memory_space<semaphore_mem>>)
      %dma_wait3A = arith.constant 7040 : i32
      %dma_wait3A_91 = tpu.memref_slice %arg7[%dma_wait3A] : memref<10240xf32, #tpu.memory_space<vmem>> -> memref<640xf32, #tpu.memory_space<vmem>>
      %dma_wait3A_92 = tpu.memref_slice %arg9[%add3A_58] : memref<163840xf32, #tpu.memory_space<vmem_shared>> -> memref<640xf32, #tpu.memory_space<vmem_shared>>
      %dma_wait3A_93 = arith.constant 7040 : i32
      %dma_wait3A_94 = tpu.memref_slice %arg7[%dma_wait3A_93] : memref<10240xf32, #tpu.memory_space<vmem>> -> memref<640xf32, #tpu.memory_space<vmem>>
      %dma_wait3A_95 = tpu.memref_slice %arg9[%add3A_58] : memref<163840xf32, #tpu.memory_space<vmem_shared>> -> memref<640xf32, #tpu.memory_space<vmem_shared>>
      tpu.wait_dma2 semaphore(%run_scoped3A : memref<!tpu.dma_semaphore, #tpu.memory_space<semaphore_mem>>) src(%dma_wait3A_95 : memref<640xf32, #tpu.memory_space<vmem_shared>>) dst(%dma_wait3A_94 : memref<640xf32, #tpu.memory_space<vmem>>)
      tpu.yield
    }) : () -> ()
    %mul3A_59 = arith.constant 640 : i32
    %mul3A_60 = arith.muli %arg1, %mul3A_59 : i32
    %add3A_61 = arith.constant 122880 : i32
    %add3A_62 = arith.addi %add3A_61, %mul3A_60 : i32
    "tpu.region"() ({
      %run_scoped3A = tpu.sem_alloc : memref<!tpu.dma_semaphore, #tpu.memory_space<semaphore_mem>>
      %dma_start3A = arith.constant 7680 : i32
      %dma_start3A_86 = tpu.memref_slice %arg7[%dma_start3A] : memref<10240xf32, #tpu.memory_space<vmem>> -> memref<640xf32, #tpu.memory_space<vmem>>
      %dma_start3A_87 = tpu.memref_slice %arg9[%add3A_62] : memref<163840xf32, #tpu.memory_space<vmem_shared>> -> memref<640xf32, #tpu.memory_space<vmem_shared>>
      %dma_start3A_88 = arith.constant 7680 : i32
      %dma_start3A_89 = tpu.memref_slice %arg7[%dma_start3A_88] : memref<10240xf32, #tpu.memory_space<vmem>> -> memref<640xf32, #tpu.memory_space<vmem>>
      %dma_start3A_90 = tpu.memref_slice %arg9[%add3A_62] : memref<163840xf32, #tpu.memory_space<vmem_shared>> -> memref<640xf32, #tpu.memory_space<vmem_shared>>
      tpu.enqueue_dma source(%dma_start3A_90 : memref<640xf32, #tpu.memory_space<vmem_shared>>) target(%dma_start3A_89 : memref<640xf32, #tpu.memory_space<vmem>>) target_semaphore(%run_scoped3A : memref<!tpu.dma_semaphore, #tpu.memory_space<semaphore_mem>>)
      %dma_wait3A = arith.constant 7680 : i32
      %dma_wait3A_91 = tpu.memref_slice %arg7[%dma_wait3A] : memref<10240xf32, #tpu.memory_space<vmem>> -> memref<640xf32, #tpu.memory_space<vmem>>
      %dma_wait3A_92 = tpu.memref_slice %arg9[%add3A_62] : memref<163840xf32, #tpu.memory_space<vmem_shared>> -> memref<640xf32, #tpu.memory_space<vmem_shared>>
      %dma_wait3A_93 = arith.constant 7680 : i32
      %dma_wait3A_94 = tpu.memref_slice %arg7[%dma_wait3A_93] : memref<10240xf32, #tpu.memory_space<vmem>> -> memref<640xf32, #tpu.memory_space<vmem>>
      %dma_wait3A_95 = tpu.memref_slice %arg9[%add3A_62] : memref<163840xf32, #tpu.memory_space<vmem_shared>> -> memref<640xf32, #tpu.memory_space<vmem_shared>>
      tpu.wait_dma2 semaphore(%run_scoped3A : memref<!tpu.dma_semaphore, #tpu.memory_space<semaphore_mem>>) src(%dma_wait3A_95 : memref<640xf32, #tpu.memory_space<vmem_shared>>) dst(%dma_wait3A_94 : memref<640xf32, #tpu.memory_space<vmem>>)
      tpu.yield
    }) : () -> ()
    %mul3A_63 = arith.constant 640 : i32
    %mul3A_64 = arith.muli %arg1, %mul3A_63 : i32
    %add3A_65 = arith.constant 133120 : i32
    %add3A_66 = arith.addi %add3A_65, %mul3A_64 : i32
    "tpu.region"() ({
      %run_scoped3A = tpu.sem_alloc : memref<!tpu.dma_semaphore, #tpu.memory_space<semaphore_mem>>
      %dma_start3A = arith.constant 8320 : i32
      %dma_start3A_86 = tpu.memref_slice %arg7[%dma_start3A] : memref<10240xf32, #tpu.memory_space<vmem>> -> memref<640xf32, #tpu.memory_space<vmem>>
      %dma_start3A_87 = tpu.memref_slice %arg9[%add3A_66] : memref<163840xf32, #tpu.memory_space<vmem_shared>> -> memref<640xf32, #tpu.memory_space<vmem_shared>>
      %dma_start3A_88 = arith.constant 8320 : i32
      %dma_start3A_89 = tpu.memref_slice %arg7[%dma_start3A_88] : memref<10240xf32, #tpu.memory_space<vmem>> -> memref<640xf32, #tpu.memory_space<vmem>>
      %dma_start3A_90 = tpu.memref_slice %arg9[%add3A_66] : memref<163840xf32, #tpu.memory_space<vmem_shared>> -> memref<640xf32, #tpu.memory_space<vmem_shared>>
      tpu.enqueue_dma source(%dma_start3A_90 : memref<640xf32, #tpu.memory_space<vmem_shared>>) target(%dma_start3A_89 : memref<640xf32, #tpu.memory_space<vmem>>) target_semaphore(%run_scoped3A : memref<!tpu.dma_semaphore, #tpu.memory_space<semaphore_mem>>)
      %dma_wait3A = arith.constant 8320 : i32
      %dma_wait3A_91 = tpu.memref_slice %arg7[%dma_wait3A] : memref<10240xf32, #tpu.memory_space<vmem>> -> memref<640xf32, #tpu.memory_space<vmem>>
      %dma_wait3A_92 = tpu.memref_slice %arg9[%add3A_66] : memref<163840xf32, #tpu.memory_space<vmem_shared>> -> memref<640xf32, #tpu.memory_space<vmem_shared>>
      %dma_wait3A_93 = arith.constant 8320 : i32
      %dma_wait3A_94 = tpu.memref_slice %arg7[%dma_wait3A_93] : memref<10240xf32, #tpu.memory_space<vmem>> -> memref<640xf32, #tpu.memory_space<vmem>>
      %dma_wait3A_95 = tpu.memref_slice %arg9[%add3A_66] : memref<163840xf32, #tpu.memory_space<vmem_shared>> -> memref<640xf32, #tpu.memory_space<vmem_shared>>
      tpu.wait_dma2 semaphore(%run_scoped3A : memref<!tpu.dma_semaphore, #tpu.memory_space<semaphore_mem>>) src(%dma_wait3A_95 : memref<640xf32, #tpu.memory_space<vmem_shared>>) dst(%dma_wait3A_94 : memref<640xf32, #tpu.memory_space<vmem>>)
      tpu.yield
    }) : () -> ()
    %mul3A_67 = arith.constant 640 : i32
    %mul3A_68 = arith.muli %arg1, %mul3A_67 : i32
    %add3A_69 = arith.constant 143360 : i32
    %add3A_70 = arith.addi %add3A_69, %mul3A_68 : i32
    "tpu.region"() ({
      %run_scoped3A = tpu.sem_alloc : memref<!tpu.dma_semaphore, #tpu.memory_space<semaphore_mem>>
      %dma_start3A = arith.constant 8960 : i32
      %dma_start3A_86 = tpu.memref_slice %arg7[%dma_start3A] : memref<10240xf32, #tpu.memory_space<vmem>> -> memref<640xf32, #tpu.memory_space<vmem>>
      %dma_start3A_87 = tpu.memref_slice %arg9[%add3A_70] : memref<163840xf32, #tpu.memory_space<vmem_shared>> -> memref<640xf32, #tpu.memory_space<vmem_shared>>
      %dma_start3A_88 = arith.constant 8960 : i32
      %dma_start3A_89 = tpu.memref_slice %arg7[%dma_start3A_88] : memref<10240xf32, #tpu.memory_space<vmem>> -> memref<640xf32, #tpu.memory_space<vmem>>
      %dma_start3A_90 = tpu.memref_slice %arg9[%add3A_70] : memref<163840xf32, #tpu.memory_space<vmem_shared>> -> memref<640xf32, #tpu.memory_space<vmem_shared>>
      tpu.enqueue_dma source(%dma_start3A_90 : memref<640xf32, #tpu.memory_space<vmem_shared>>) target(%dma_start3A_89 : memref<640xf32, #tpu.memory_space<vmem>>) target_semaphore(%run_scoped3A : memref<!tpu.dma_semaphore, #tpu.memory_space<semaphore_mem>>)
      %dma_wait3A = arith.constant 8960 : i32
      %dma_wait3A_91 = tpu.memref_slice %arg7[%dma_wait3A] : memref<10240xf32, #tpu.memory_space<vmem>> -> memref<640xf32, #tpu.memory_space<vmem>>
      %dma_wait3A_92 = tpu.memref_slice %arg9[%add3A_70] : memref<163840xf32, #tpu.memory_space<vmem_shared>> -> memref<640xf32, #tpu.memory_space<vmem_shared>>
      %dma_wait3A_93 = arith.constant 8960 : i32
      %dma_wait3A_94 = tpu.memref_slice %arg7[%dma_wait3A_93] : memref<10240xf32, #tpu.memory_space<vmem>> -> memref<640xf32, #tpu.memory_space<vmem>>
      %dma_wait3A_95 = tpu.memref_slice %arg9[%add3A_70] : memref<163840xf32, #tpu.memory_space<vmem_shared>> -> memref<640xf32, #tpu.memory_space<vmem_shared>>
      tpu.wait_dma2 semaphore(%run_scoped3A : memref<!tpu.dma_semaphore, #tpu.memory_space<semaphore_mem>>) src(%dma_wait3A_95 : memref<640xf32, #tpu.memory_space<vmem_shared>>) dst(%dma_wait3A_94 : memref<640xf32, #tpu.memory_space<vmem>>)
      tpu.yield
    }) : () -> ()
    %mul3A_71 = arith.constant 640 : i32
    %mul3A_72 = arith.muli %arg1, %mul3A_71 : i32
    %add3A_73 = arith.constant 153600 : i32
    %add3A_74 = arith.addi %add3A_73, %mul3A_72 : i32
    "tpu.region"() ({
      %run_scoped3A = tpu.sem_alloc : memref<!tpu.dma_semaphore, #tpu.memory_space<semaphore_mem>>
      %dma_start3A = arith.constant 9600 : i32
      %dma_start3A_86 = tpu.memref_slice %arg7[%dma_start3A] : memref<10240xf32, #tpu.memory_space<vmem>> -> memref<640xf32, #tpu.memory_space<vmem>>
      %dma_start3A_87 = tpu.memref_slice %arg9[%add3A_74] : memref<163840xf32, #tpu.memory_space<vmem_shared>> -> memref<640xf32, #tpu.memory_space<vmem_shared>>
      %dma_start3A_88 = arith.constant 9600 : i32
      %dma_start3A_89 = tpu.memref_slice %arg7[%dma_start3A_88] : memref<10240xf32, #tpu.memory_space<vmem>> -> memref<640xf32, #tpu.memory_space<vmem>>
      %dma_start3A_90 = tpu.memref_slice %arg9[%add3A_74] : memref<163840xf32, #tpu.memory_space<vmem_shared>> -> memref<640xf32, #tpu.memory_space<vmem_shared>>
      tpu.enqueue_dma source(%dma_start3A_90 : memref<640xf32, #tpu.memory_space<vmem_shared>>) target(%dma_start3A_89 : memref<640xf32, #tpu.memory_space<vmem>>) target_semaphore(%run_scoped3A : memref<!tpu.dma_semaphore, #tpu.memory_space<semaphore_mem>>)
      %dma_wait3A = arith.constant 9600 : i32
      %dma_wait3A_91 = tpu.memref_slice %arg7[%dma_wait3A] : memref<10240xf32, #tpu.memory_space<vmem>> -> memref<640xf32, #tpu.memory_space<vmem>>
      %dma_wait3A_92 = tpu.memref_slice %arg9[%add3A_74] : memref<163840xf32, #tpu.memory_space<vmem_shared>> -> memref<640xf32, #tpu.memory_space<vmem_shared>>
      %dma_wait3A_93 = arith.constant 9600 : i32
      %dma_wait3A_94 = tpu.memref_slice %arg7[%dma_wait3A_93] : memref<10240xf32, #tpu.memory_space<vmem>> -> memref<640xf32, #tpu.memory_space<vmem>>
      %dma_wait3A_95 = tpu.memref_slice %arg9[%add3A_74] : memref<163840xf32, #tpu.memory_space<vmem_shared>> -> memref<640xf32, #tpu.memory_space<vmem_shared>>
      tpu.wait_dma2 semaphore(%run_scoped3A : memref<!tpu.dma_semaphore, #tpu.memory_space<semaphore_mem>>) src(%dma_wait3A_95 : memref<640xf32, #tpu.memory_space<vmem_shared>>) dst(%dma_wait3A_94 : memref<640xf32, #tpu.memory_space<vmem>>)
      tpu.yield
    }) : () -> ()
    %scan3A_75 = arith.constant 0 : i32
    %scan3A_76 = arith.constant 0 : i32
    %scan3A_77 = arith.constant 40 : i32
    %scan3A_78 = arith.addi %scan3A_76, %scan3A_77 : i32
    %scan3A_79 = arith.constant 1 : i32
    scf.for %scan3A_86 = %scan3A_76 to %scan3A_78 step %scan3A_79  : i32 {
      %mul3A_87 = arith.constant 16 : i32
      %mul3A_88 = arith.muli %scan3A_86, %mul3A_87 : i32
      %get3A = arith.index_cast %mul3A_88 : i32 to index
      %get3A_89 = tpu.vector_load %arg7[%get3A] {strides = array<i32>} : memref<10240xf32, #tpu.memory_space<vmem>>, vector<16xf32>,
      %mul3A_90 = arith.constant 16 : i32
      %mul3A_91 = arith.muli %scan3A_86, %mul3A_90 : i32
      %add3A_92 = arith.constant 640 : i32
      %add3A_93 = arith.addi %add3A_92, %mul3A_91 : i32
      %get3A_94 = arith.index_cast %add3A_93 : i32 to index
      %get3A_95 = tpu.vector_load %arg7[%get3A_94] {strides = array<i32>} : memref<10240xf32, #tpu.memory_space<vmem>>, vector<16xf32>,
      %add3A_96 = arith.addf %get3A_89, %get3A_95 : vector<16xf32>
      %mul3A_97 = arith.constant 16 : i32
      %mul3A_98 = arith.muli %scan3A_86, %mul3A_97 : i32
      %add3A_99 = arith.constant 1280 : i32
      %add3A_100 = arith.addi %add3A_99, %mul3A_98 : i32
      %get3A_101 = arith.index_cast %add3A_100 : i32 to index
      %get3A_102 = tpu.vector_load %arg7[%get3A_101] {strides = array<i32>} : memref<10240xf32, #tpu.memory_space<vmem>>, vector<16xf32>,
      %add3A_103 = arith.addf %add3A_96, %get3A_102 : vector<16xf32>
      %mul3A_104 = arith.constant 16 : i32
      %mul3A_105 = arith.muli %scan3A_86, %mul3A_104 : i32
      %add3A_106 = arith.constant 1920 : i32
      %add3A_107 = arith.addi %add3A_106, %mul3A_105 : i32
      %get3A_108 = arith.index_cast %add3A_107 : i32 to index
      %get3A_109 = tpu.vector_load %arg7[%get3A_108] {strides = array<i32>} : memref<10240xf32, #tpu.memory_space<vmem>>, vector<16xf32>,
      %add3A_110 = arith.addf %add3A_103, %get3A_109 : vector<16xf32>
      %mul3A_111 = arith.constant 16 : i32
      %mul3A_112 = arith.muli %scan3A_86, %mul3A_111 : i32
      %add3A_113 = arith.constant 2560 : i32
      %add3A_114 = arith.addi %add3A_113, %mul3A_112 : i32
      %get3A_115 = arith.index_cast %add3A_114 : i32 to index
      %get3A_116 = tpu.vector_load %arg7[%get3A_115] {strides = array<i32>} : memref<10240xf32, #tpu.memory_space<vmem>>, vector<16xf32>,
      %add3A_117 = arith.addf %add3A_110, %get3A_116 : vector<16xf32>
      %mul3A_118 = arith.constant 16 : i32
      %mul3A_119 = arith.muli %scan3A_86, %mul3A_118 : i32
      %add3A_120 = arith.constant 3200 : i32
      %add3A_121 = arith.addi %add3A_120, %mul3A_119 : i32
      %get3A_122 = arith.index_cast %add3A_121 : i32 to index
      %get3A_123 = tpu.vector_load %arg7[%get3A_122] {strides = array<i32>} : memref<10240xf32, #tpu.memory_space<vmem>>, vector<16xf32>,
      %add3A_124 = arith.addf %add3A_117, %get3A_123 : vector<16xf32>
      %mul3A_125 = arith.constant 16 : i32
      %mul3A_126 = arith.muli %scan3A_86, %mul3A_125 : i32
      %add3A_127 = arith.constant 3840 : i32
      %add3A_128 = arith.addi %add3A_127, %mul3A_126 : i32
      %get3A_129 = arith.index_cast %add3A_128 : i32 to index
      %get3A_130 = tpu.vector_load %arg7[%get3A_129] {strides = array<i32>} : memref<10240xf32, #tpu.memory_space<vmem>>, vector<16xf32>,
      %add3A_131 = arith.addf %add3A_124, %get3A_130 : vector<16xf32>
      %mul3A_132 = arith.constant 16 : i32
      %mul3A_133 = arith.muli %scan3A_86, %mul3A_132 : i32
      %add3A_134 = arith.constant 4480 : i32
      %add3A_135 = arith.addi %add3A_134, %mul3A_133 : i32
      %get3A_136 = arith.index_cast %add3A_135 : i32 to index
      %get3A_137 = tpu.vector_load %arg7[%get3A_136] {strides = array<i32>} : memref<10240xf32, #tpu.memory_space<vmem>>, vector<16xf32>,
      %add3A_138 = arith.addf %add3A_131, %get3A_137 : vector<16xf32>
      %mul3A_139 = arith.constant 16 : i32
      %mul3A_140 = arith.muli %scan3A_86, %mul3A_139 : i32
      %add3A_141 = arith.constant 5120 : i32
      %add3A_142 = arith.addi %add3A_141, %mul3A_140 : i32
      %get3A_143 = arith.index_cast %add3A_142 : i32 to index
      %get3A_144 = tpu.vector_load %arg7[%get3A_143] {strides = array<i32>} : memref<10240xf32, #tpu.memory_space<vmem>>, vector<16xf32>,
      %add3A_145 = arith.addf %add3A_138, %get3A_144 : vector<16xf32>
      %mul3A_146 = arith.constant 16 : i32
      %mul3A_147 = arith.muli %scan3A_86, %mul3A_146 : i32
      %add3A_148 = arith.constant 5760 : i32
      %add3A_149 = arith.addi %add3A_148, %mul3A_147 : i32
      %get3A_150 = arith.index_cast %add3A_149 : i32 to index
      %get3A_151 = tpu.vector_load %arg7[%get3A_150] {strides = array<i32>} : memref<10240xf32, #tpu.memory_space<vmem>>, vector<16xf32>,
      %add3A_152 = arith.addf %add3A_145, %get3A_151 : vector<16xf32>
      %mul3A_153 = arith.constant 16 : i32
      %mul3A_154 = arith.muli %scan3A_86, %mul3A_153 : i32
      %add3A_155 = arith.constant 6400 : i32
      %add3A_156 = arith.addi %add3A_155, %mul3A_154 : i32
      %get3A_157 = arith.index_cast %add3A_156 : i32 to index
      %get3A_158 = tpu.vector_load %arg7[%get3A_157] {strides = array<i32>} : memref<10240xf32, #tpu.memory_space<vmem>>, vector<16xf32>,
      %add3A_159 = arith.addf %add3A_152, %get3A_158 : vector<16xf32>
      %mul3A_160 = arith.constant 16 : i32
      %mul3A_161 = arith.muli %scan3A_86, %mul3A_160 : i32
      %add3A_162 = arith.constant 7040 : i32
      %add3A_163 = arith.addi %add3A_162, %mul3A_161 : i32
      %get3A_164 = arith.index_cast %add3A_163 : i32 to index
      %get3A_165 = tpu.vector_load %arg7[%get3A_164] {strides = array<i32>} : memref<10240xf32, #tpu.memory_space<vmem>>, vector<16xf32>,
      %add3A_166 = arith.addf %add3A_159, %get3A_165 : vector<16xf32>
      %mul3A_167 = arith.constant 16 : i32
      %mul3A_168 = arith.muli %scan3A_86, %mul3A_167 : i32
      %add3A_169 = arith.constant 7680 : i32
      %add3A_170 = arith.addi %add3A_169, %mul3A_168 : i32
      %get3A_171 = arith.index_cast %add3A_170 : i32 to index
      %get3A_172 = tpu.vector_load %arg7[%get3A_171] {strides = array<i32>} : memref<10240xf32, #tpu.memory_space<vmem>>, vector<16xf32>,
      %add3A_173 = arith.addf %add3A_166, %get3A_172 : vector<16xf32>
      %mul3A_174 = arith.constant 16 : i32
      %mul3A_175 = arith.muli %scan3A_86, %mul3A_174 : i32
      %add3A_176 = arith.constant 8320 : i32
      %add3A_177 = arith.addi %add3A_176, %mul3A_175 : i32
      %get3A_178 = arith.index_cast %add3A_177 : i32 to index
      %get3A_179 = tpu.vector_load %arg7[%get3A_178] {strides = array<i32>} : memref<10240xf32, #tpu.memory_space<vmem>>, vector<16xf32>,
      %add3A_180 = arith.addf %add3A_173, %get3A_179 : vector<16xf32>
      %mul3A_181 = arith.constant 16 : i32
      %mul3A_182 = arith.muli %scan3A_86, %mul3A_181 : i32
      %add3A_183 = arith.constant 8960 : i32
      %add3A_184 = arith.addi %add3A_183, %mul3A_182 : i32
      %get3A_185 = arith.index_cast %add3A_184 : i32 to index
      %get3A_186 = tpu.vector_load %arg7[%get3A_185] {strides = array<i32>} : memref<10240xf32, #tpu.memory_space<vmem>>, vector<16xf32>,
      %add3A_187 = arith.addf %add3A_180, %get3A_186 : vector<16xf32>
      %mul3A_188 = arith.constant 16 : i32
      %mul3A_189 = arith.muli %scan3A_86, %mul3A_188 : i32
      %add3A_190 = arith.constant 9600 : i32
      %add3A_191 = arith.addi %add3A_190, %mul3A_189 : i32
      %get3A_192 = arith.index_cast %add3A_191 : i32 to index
      %get3A_193 = tpu.vector_load %arg7[%get3A_192] {strides = array<i32>} : memref<10240xf32, #tpu.memory_space<vmem>>, vector<16xf32>,
      %add3A_194 = arith.addf %add3A_187, %get3A_193 : vector<16xf32>
      %mul3A_195 = arith.constant 16 : i32
      %mul3A_196 = arith.muli %scan3A_86, %mul3A_195 : i32
      %swap3A = arith.index_cast %mul3A_196 : i32 to index
      %swap3A_197 = tpu.vector_load %arg8[%swap3A] {strides = array<i32>} : memref<640xf32, #tpu.memory_space<vmem>>, vector<16xf32>,
      tpu.vector_store %arg8[%swap3A], %add3A_194 {strides = array<i32>} : memref<640xf32, #tpu.memory_space<vmem>>, vector<16xf32>,
    }
    %scan3A_80 = arith.constant 40 : i32
    %mul3A_81 = arith.constant 10240 : i32
    %mul3A_82 = arith.muli %arg0, %mul3A_81 : i32
    %mul3A_83 = arith.constant 640 : i32
    %mul3A_84 = arith.muli %arg1, %mul3A_83 : i32
    %add3A_85 = arith.addi %mul3A_82, %mul3A_84 : i32
    "tpu.region"() ({
      %run_scoped3A = tpu.sem_alloc : memref<!tpu.dma_semaphore, #tpu.memory_space<semaphore_mem>>
      %dma_start3A = tpu.memref_slice %arg4[%add3A_85] : memref<20480xf32, #tpu.memory_space<hbm>> -> memref<640xf32, #tpu.memory_space<hbm>>
      %dma_start3A_86 = tpu.memref_slice %arg4[%add3A_85] : memref<20480xf32, #tpu.memory_space<hbm>> -> memref<640xf32, #tpu.memory_space<hbm>>
      tpu.enqueue_dma source(%arg8 : memref<640xf32, #tpu.memory_space<vmem>>) target(%dma_start3A_86 : memref<640xf32, #tpu.memory_space<hbm>>) target_semaphore(%run_scoped3A : memref<!tpu.dma_semaphore, #tpu.memory_space<semaphore_mem>>)
      %dma_wait3A = tpu.memref_slice %arg4[%add3A_85] : memref<20480xf32, #tpu.memory_space<hbm>> -> memref<640xf32, #tpu.memory_space<hbm>>
      %dma_wait3A_87 = tpu.memref_slice %arg4[%add3A_85] : memref<20480xf32, #tpu.memory_space<hbm>> -> memref<640xf32, #tpu.memory_space<hbm>>
      tpu.wait_dma2 semaphore(%run_scoped3A : memref<!tpu.dma_semaphore, #tpu.memory_space<semaphore_mem>>) src(%arg8 : memref<640xf32, #tpu.memory_space<vmem>>) dst(%dma_wait3A_87 : memref<640xf32, #tpu.memory_space<hbm>>)
      tpu.yield
    }) : () -> ()
    return
  }
}

#map = affine_map<(d0, d1) -> (0, 0)>
#map1 = affine_map<(d0, d1) -> (0)>
#map2 = affine_map<(d0, d1) -> (0, 0, 0)>
module attributes {stable_mosaic.version = 14 : i64} {
  func.func @_msg_body(%arg0: i32, %arg1: i32, %arg2: memref<10000x128xf32, #tpu.memory_space<hbm>>, %arg3: memref<323584xi32, #tpu.memory_space<hbm>>, %arg4: memref<323584xi32, #tpu.memory_space<hbm>>, %arg5: memref<10112x128xf32, #tpu.memory_space<hbm>>, %arg6: memref<2x10112x128xf32, #tpu.memory_space<hbm>>, %arg7: memref<128xi32, #tpu.memory_space<vmem>>, %arg8: memref<128xi32, #tpu.memory_space<vmem>>, %arg9: memref<128x128xf32, #tpu.memory_space<vmem>>, %arg10: memref<10112x128xf32, #tpu.memory_space<vmem_shared>>, %arg11: memref<!tpu.dma_semaphore, #tpu.memory_space<semaphore_mem>>) attributes {dimension_semantics = [#tpu.dimension_semantics<core_parallel>, #tpu.dimension_semantics<subcore_parallel>], iteration_bounds = array<i64: 2, 16>, scalar_prefetch = 0 : i64, scratch_operands = 5 : i64, tpu.core_type = #tpu.core_type<sc_vector_subcore>, window_params = [{transform_indices = #map}, {transform_indices = #map1}, {transform_indices = #map1}, {transform_indices = #map}, {transform_indices = #map2}]} {
    %mul3A = arith.constant 632 : i32
    %mul3A_0 = arith.muli %arg1, %mul3A : i32
    "tpu.region"() ({
      %run_scoped3A = tpu.sem_alloc : memref<!tpu.dma_semaphore, #tpu.memory_space<semaphore_mem>>
      %dma_start3A = arith.constant 0 : i32
      %dma_start3A_11 = tpu.memref_slice %arg10[%mul3A_0, %dma_start3A] : memref<10112x128xf32, #tpu.memory_space<vmem_shared>> -> memref<632x128xf32, #tpu.memory_space<vmem_shared>>
      %dma_start3A_12 = arith.constant 0 : i32
      %dma_start3A_13 = tpu.memref_slice %arg5[%mul3A_0, %dma_start3A_12] : memref<10112x128xf32, #tpu.memory_space<hbm>> -> memref<632x128xf32, #tpu.memory_space<hbm>>
      tpu.enqueue_dma source(%dma_start3A_13 : memref<632x128xf32, #tpu.memory_space<hbm>>) target(%dma_start3A_11 : memref<632x128xf32, #tpu.memory_space<vmem_shared>>) target_semaphore(%run_scoped3A : memref<!tpu.dma_semaphore, #tpu.memory_space<semaphore_mem>>)
      %dma_wait3A = arith.constant 0 : i32
      %dma_wait3A_14 = tpu.memref_slice %arg10[%mul3A_0, %dma_wait3A] : memref<10112x128xf32, #tpu.memory_space<vmem_shared>> -> memref<632x128xf32, #tpu.memory_space<vmem_shared>>
      %dma_wait3A_15 = arith.constant 0 : i32
      %dma_wait3A_16 = tpu.memref_slice %arg5[%mul3A_0, %dma_wait3A_15] : memref<10112x128xf32, #tpu.memory_space<hbm>> -> memref<632x128xf32, #tpu.memory_space<hbm>>
      tpu.wait_dma2 semaphore(%run_scoped3A : memref<!tpu.dma_semaphore, #tpu.memory_space<semaphore_mem>>) src(%dma_wait3A_16 : memref<632x128xf32, #tpu.memory_space<hbm>>) dst(%dma_wait3A_14 : memref<632x128xf32, #tpu.memory_space<vmem_shared>>)
      tpu.yield
    }) : () -> ()
    %barrier3A = arith.constant 0 : index
    tpu.barrier barrier_id(%barrier3A)
    %mul3A_1 = arith.constant 161792 : i32
    %mul3A_2 = arith.muli %arg0, %mul3A_1 : i32
    %mul3A_3 = arith.constant 10112 : i32
    %mul3A_4 = arith.muli %arg1, %mul3A_3 : i32
    %add3A = arith.addi %mul3A_2, %mul3A_4 : i32
    %scan3A = arith.constant 0 : i32
    %scan3A_5 = arith.constant 0 : i32
    %scan3A_6 = arith.constant 79 : i32
    %scan3A_7 = arith.addi %scan3A_5, %scan3A_6 : i32
    %scan3A_8 = arith.constant 1 : i32
    scf.for %scan3A_11 = %scan3A_5 to %scan3A_7 step %scan3A_8  : i32 {
      %mul3A_12 = arith.constant 128 : i32
      %mul3A_13 = arith.muli %scan3A_11, %mul3A_12 : i32
      %add3A_14 = arith.addi %add3A, %mul3A_13 : i32
      "tpu.region"() ({
        %run_scoped3A = tpu.sem_alloc : memref<!tpu.dma_semaphore, #tpu.memory_space<semaphore_mem>>
        %dma_start3A_19 = tpu.memref_slice %arg3[%add3A_14] : memref<323584xi32, #tpu.memory_space<hbm>> -> memref<128xi32, #tpu.memory_space<hbm>>
        %dma_start3A_20 = tpu.memref_slice %arg3[%add3A_14] : memref<323584xi32, #tpu.memory_space<hbm>> -> memref<128xi32, #tpu.memory_space<hbm>>
        tpu.enqueue_dma source(%dma_start3A_20 : memref<128xi32, #tpu.memory_space<hbm>>) target(%arg7 : memref<128xi32, #tpu.memory_space<vmem>>) target_semaphore(%run_scoped3A : memref<!tpu.dma_semaphore, #tpu.memory_space<semaphore_mem>>)
        %dma_wait3A_21 = tpu.memref_slice %arg3[%add3A_14] : memref<323584xi32, #tpu.memory_space<hbm>> -> memref<128xi32, #tpu.memory_space<hbm>>
        %dma_wait3A_22 = tpu.memref_slice %arg3[%add3A_14] : memref<323584xi32, #tpu.memory_space<hbm>> -> memref<128xi32, #tpu.memory_space<hbm>>
        tpu.wait_dma2 semaphore(%run_scoped3A : memref<!tpu.dma_semaphore, #tpu.memory_space<semaphore_mem>>) src(%dma_wait3A_22 : memref<128xi32, #tpu.memory_space<hbm>>) dst(%arg7 : memref<128xi32, #tpu.memory_space<vmem>>)
        tpu.yield
      }) : () -> ()
      "tpu.region"() ({
        %run_scoped3A = tpu.sem_alloc : memref<!tpu.dma_semaphore, #tpu.memory_space<semaphore_mem>>
        %dma_start3A_19 = tpu.memref_slice %arg4[%add3A_14] : memref<323584xi32, #tpu.memory_space<hbm>> -> memref<128xi32, #tpu.memory_space<hbm>>
        %dma_start3A_20 = tpu.memref_slice %arg4[%add3A_14] : memref<323584xi32, #tpu.memory_space<hbm>> -> memref<128xi32, #tpu.memory_space<hbm>>
        tpu.enqueue_dma source(%dma_start3A_20 : memref<128xi32, #tpu.memory_space<hbm>>) target(%arg8 : memref<128xi32, #tpu.memory_space<vmem>>) target_semaphore(%run_scoped3A : memref<!tpu.dma_semaphore, #tpu.memory_space<semaphore_mem>>)
        %dma_wait3A_21 = tpu.memref_slice %arg4[%add3A_14] : memref<323584xi32, #tpu.memory_space<hbm>> -> memref<128xi32, #tpu.memory_space<hbm>>
        %dma_wait3A_22 = tpu.memref_slice %arg4[%add3A_14] : memref<323584xi32, #tpu.memory_space<hbm>> -> memref<128xi32, #tpu.memory_space<hbm>>
        tpu.wait_dma2 semaphore(%run_scoped3A : memref<!tpu.dma_semaphore, #tpu.memory_space<semaphore_mem>>) src(%dma_wait3A_22 : memref<128xi32, #tpu.memory_space<hbm>>) dst(%arg8 : memref<128xi32, #tpu.memory_space<vmem>>)
        tpu.yield
      }) : () -> ()
      %dma_start3A = arith.constant 0 : i32
      %dma_start3A_15 = arith.constant 0 : i32
      %dma_start3A_16 = tpu.memref_slice %arg2[%dma_start3A, %dma_start3A_15] : memref<10000x128xf32, #tpu.memory_space<hbm>> -> memref<10000x128xf32, #tpu.memory_space<hbm>>
      tpu.enqueue_indirect_dma source(%dma_start3A_16 : memref<10000x128xf32, #tpu.memory_space<hbm>>) target(%arg9 : memref<128x128xf32, #tpu.memory_space<vmem>>) offsets(%arg7 : memref<128xi32, #tpu.memory_space<vmem>>) semaphore(%arg11 : memref<!tpu.dma_semaphore, #tpu.memory_space<semaphore_mem>>)
      %dma_wait3A = arith.constant 0 : i32
      %dma_wait3A_17 = arith.constant 0 : i32
      %dma_wait3A_18 = tpu.memref_slice %arg2[%dma_wait3A, %dma_wait3A_17] : memref<10000x128xf32, #tpu.memory_space<hbm>> -> memref<10000x128xf32, #tpu.memory_space<hbm>>
      tpu.wait_indirect_dma semaphore(%arg11 : memref<!tpu.dma_semaphore, #tpu.memory_space<semaphore_mem>>) src(%dma_wait3A_18 : memref<10000x128xf32, #tpu.memory_space<hbm>>) dst(%arg9 : memref<128x128xf32, #tpu.memory_space<vmem>>)
      "tpu.region"() ({
        %run_scoped3A = tpu.sem_alloc : memref<!tpu.dma_semaphore, #tpu.memory_space<semaphore_mem>>
        %dma_start3A_19 = arith.constant 0 : i32
        %dma_start3A_20 = arith.constant 0 : i32
        %dma_start3A_21 = tpu.memref_slice %arg10[%dma_start3A_19, %dma_start3A_20] : memref<10112x128xf32, #tpu.memory_space<vmem_shared>> -> memref<10112x128xf32, #tpu.memory_space<vmem_shared>>
        tpu.enqueue_indirect_dma source(%arg9 : memref<128x128xf32, #tpu.memory_space<vmem>>) target(%dma_start3A_21 : memref<10112x128xf32, #tpu.memory_space<vmem_shared>>) offsets(%arg8 : memref<128xi32, #tpu.memory_space<vmem>>) semaphore(%run_scoped3A : memref<!tpu.dma_semaphore, #tpu.memory_space<semaphore_mem>>) {add = true}
        %dma_wait3A_22 = arith.constant 0 : i32
        %dma_wait3A_23 = arith.constant 0 : i32
        %dma_wait3A_24 = tpu.memref_slice %arg10[%dma_wait3A_22, %dma_wait3A_23] : memref<10112x128xf32, #tpu.memory_space<vmem_shared>> -> memref<10112x128xf32, #tpu.memory_space<vmem_shared>>
        tpu.wait_indirect_dma semaphore(%run_scoped3A : memref<!tpu.dma_semaphore, #tpu.memory_space<semaphore_mem>>) src(%arg9 : memref<128x128xf32, #tpu.memory_space<vmem>>) dst(%dma_wait3A_24 : memref<10112x128xf32, #tpu.memory_space<vmem_shared>>)
        tpu.yield
      }) : () -> ()
    }
    %scan3A_9 = arith.constant 79 : i32
    %barrier3A_10 = arith.constant 0 : index
    tpu.barrier barrier_id(%barrier3A_10)
    "tpu.region"() ({
      %run_scoped3A = tpu.sem_alloc : memref<!tpu.dma_semaphore, #tpu.memory_space<semaphore_mem>>
      %dma_start3A = arith.constant 0 : i32
      %dma_start3A_11 = tpu.memref_slice %arg6[%arg0, %mul3A_0, %dma_start3A] : memref<2x10112x128xf32, #tpu.memory_space<hbm>> -> memref<1x632x128xf32, #tpu.memory_space<hbm>>
      %dma_start3A_12 = tpu.memref_squeeze %dma_start3A_11 : memref<1x632x128xf32, #tpu.memory_space<hbm>> -> memref<632x128xf32, #tpu.memory_space<hbm>>
      %dma_start3A_13 = arith.constant 0 : i32
      %dma_start3A_14 = tpu.memref_slice %arg10[%mul3A_0, %dma_start3A_13] : memref<10112x128xf32, #tpu.memory_space<vmem_shared>> -> memref<632x128xf32, #tpu.memory_space<vmem_shared>>
      tpu.enqueue_dma source(%dma_start3A_14 : memref<632x128xf32, #tpu.memory_space<vmem_shared>>) target(%dma_start3A_12 : memref<632x128xf32, #tpu.memory_space<hbm>>) target_semaphore(%run_scoped3A : memref<!tpu.dma_semaphore, #tpu.memory_space<semaphore_mem>>)
      %dma_wait3A = arith.constant 0 : i32
      %dma_wait3A_15 = tpu.memref_slice %arg6[%arg0, %mul3A_0, %dma_wait3A] : memref<2x10112x128xf32, #tpu.memory_space<hbm>> -> memref<1x632x128xf32, #tpu.memory_space<hbm>>
      %dma_wait3A_16 = tpu.memref_squeeze %dma_wait3A_15 : memref<1x632x128xf32, #tpu.memory_space<hbm>> -> memref<632x128xf32, #tpu.memory_space<hbm>>
      %dma_wait3A_17 = arith.constant 0 : i32
      %dma_wait3A_18 = tpu.memref_slice %arg10[%mul3A_0, %dma_wait3A_17] : memref<10112x128xf32, #tpu.memory_space<vmem_shared>> -> memref<632x128xf32, #tpu.memory_space<vmem_shared>>
      tpu.wait_dma2 semaphore(%run_scoped3A : memref<!tpu.dma_semaphore, #tpu.memory_space<semaphore_mem>>) src(%dma_wait3A_18 : memref<632x128xf32, #tpu.memory_space<vmem_shared>>) dst(%dma_wait3A_16 : memref<632x128xf32, #tpu.memory_space<hbm>>)
      tpu.yield
    }) : () -> ()
    return
  }
}

#map = affine_map<(d0, d1) -> (0, 0)>
#map1 = affine_map<(d0, d1) -> (0)>
#map2 = affine_map<(d0, d1) -> (0, 0, 0)>
module attributes {stable_mosaic.version = 14 : i64} {
  func.func @_msg_body(%arg0: i32, %arg1: i32, %arg2: memref<10000x128xf32, #tpu.memory_space<hbm>>, %arg3: memref<323584xi32, #tpu.memory_space<hbm>>, %arg4: memref<323584xi32, #tpu.memory_space<hbm>>, %arg5: memref<10112x128xf32, #tpu.memory_space<hbm>>, %arg6: memref<2x10112x128xf32, #tpu.memory_space<hbm>>, %arg7: memref<128xi32, #tpu.memory_space<vmem>>, %arg8: memref<128xi32, #tpu.memory_space<vmem>>, %arg9: memref<128x128xf32, #tpu.memory_space<vmem>>, %arg10: memref<10112x128xf32, #tpu.memory_space<vmem_shared>>, %arg11: memref<!tpu.dma_semaphore, #tpu.memory_space<semaphore_mem>>) attributes {dimension_semantics = [#tpu.dimension_semantics<core_parallel>, #tpu.dimension_semantics<subcore_parallel>], iteration_bounds = array<i64: 2, 16>, scalar_prefetch = 0 : i64, scratch_operands = 5 : i64, tpu.core_type = #tpu.core_type<sc_vector_subcore>, window_params = [{transform_indices = #map}, {transform_indices = #map1}, {transform_indices = #map1}, {transform_indices = #map}, {transform_indices = #map2}]} {
    %mul3A = arith.constant 632 : i32
    %mul3A_0 = arith.muli %arg1, %mul3A : i32
    "tpu.region"() ({
      %run_scoped3A = tpu.sem_alloc : memref<!tpu.dma_semaphore, #tpu.memory_space<semaphore_mem>>
      %dma_start3A = arith.constant 0 : i32
      %dma_start3A_11 = tpu.memref_slice %arg10[%mul3A_0, %dma_start3A] : memref<10112x128xf32, #tpu.memory_space<vmem_shared>> -> memref<632x128xf32, #tpu.memory_space<vmem_shared>>
      %dma_start3A_12 = arith.constant 0 : i32
      %dma_start3A_13 = tpu.memref_slice %arg5[%mul3A_0, %dma_start3A_12] : memref<10112x128xf32, #tpu.memory_space<hbm>> -> memref<632x128xf32, #tpu.memory_space<hbm>>
      tpu.enqueue_dma source(%dma_start3A_13 : memref<632x128xf32, #tpu.memory_space<hbm>>) target(%dma_start3A_11 : memref<632x128xf32, #tpu.memory_space<vmem_shared>>) target_semaphore(%run_scoped3A : memref<!tpu.dma_semaphore, #tpu.memory_space<semaphore_mem>>)
      %dma_wait3A = arith.constant 0 : i32
      %dma_wait3A_14 = tpu.memref_slice %arg10[%mul3A_0, %dma_wait3A] : memref<10112x128xf32, #tpu.memory_space<vmem_shared>> -> memref<632x128xf32, #tpu.memory_space<vmem_shared>>
      %dma_wait3A_15 = arith.constant 0 : i32
      %dma_wait3A_16 = tpu.memref_slice %arg5[%mul3A_0, %dma_wait3A_15] : memref<10112x128xf32, #tpu.memory_space<hbm>> -> memref<632x128xf32, #tpu.memory_space<hbm>>
      tpu.wait_dma2 semaphore(%run_scoped3A : memref<!tpu.dma_semaphore, #tpu.memory_space<semaphore_mem>>) src(%dma_wait3A_16 : memref<632x128xf32, #tpu.memory_space<hbm>>) dst(%dma_wait3A_14 : memref<632x128xf32, #tpu.memory_space<vmem_shared>>)
      tpu.yield
    }) : () -> ()
    %barrier3A = arith.constant 0 : index
    tpu.barrier barrier_id(%barrier3A)
    %mul3A_1 = arith.constant 161792 : i32
    %mul3A_2 = arith.muli %arg0, %mul3A_1 : i32
    %mul3A_3 = arith.constant 10112 : i32
    %mul3A_4 = arith.muli %arg1, %mul3A_3 : i32
    %add3A = arith.addi %mul3A_2, %mul3A_4 : i32
    %scan3A = arith.constant 0 : i32
    %scan3A_5 = arith.constant 0 : i32
    %scan3A_6 = arith.constant 79 : i32
    %scan3A_7 = arith.addi %scan3A_5, %scan3A_6 : i32
    %scan3A_8 = arith.constant 1 : i32
    scf.for %scan3A_11 = %scan3A_5 to %scan3A_7 step %scan3A_8  : i32 {
      %mul3A_12 = arith.constant 128 : i32
      %mul3A_13 = arith.muli %scan3A_11, %mul3A_12 : i32
      %add3A_14 = arith.addi %add3A, %mul3A_13 : i32
      "tpu.region"() ({
        %run_scoped3A = tpu.sem_alloc : memref<!tpu.dma_semaphore, #tpu.memory_space<semaphore_mem>>
        %dma_start3A_19 = tpu.memref_slice %arg3[%add3A_14] : memref<323584xi32, #tpu.memory_space<hbm>> -> memref<128xi32, #tpu.memory_space<hbm>>
        %dma_start3A_20 = tpu.memref_slice %arg3[%add3A_14] : memref<323584xi32, #tpu.memory_space<hbm>> -> memref<128xi32, #tpu.memory_space<hbm>>
        tpu.enqueue_dma source(%dma_start3A_20 : memref<128xi32, #tpu.memory_space<hbm>>) target(%arg7 : memref<128xi32, #tpu.memory_space<vmem>>) target_semaphore(%run_scoped3A : memref<!tpu.dma_semaphore, #tpu.memory_space<semaphore_mem>>)
        %dma_wait3A_21 = tpu.memref_slice %arg3[%add3A_14] : memref<323584xi32, #tpu.memory_space<hbm>> -> memref<128xi32, #tpu.memory_space<hbm>>
        %dma_wait3A_22 = tpu.memref_slice %arg3[%add3A_14] : memref<323584xi32, #tpu.memory_space<hbm>> -> memref<128xi32, #tpu.memory_space<hbm>>
        tpu.wait_dma2 semaphore(%run_scoped3A : memref<!tpu.dma_semaphore, #tpu.memory_space<semaphore_mem>>) src(%dma_wait3A_22 : memref<128xi32, #tpu.memory_space<hbm>>) dst(%arg7 : memref<128xi32, #tpu.memory_space<vmem>>)
        tpu.yield
      }) : () -> ()
      "tpu.region"() ({
        %run_scoped3A = tpu.sem_alloc : memref<!tpu.dma_semaphore, #tpu.memory_space<semaphore_mem>>
        %dma_start3A_19 = tpu.memref_slice %arg4[%add3A_14] : memref<323584xi32, #tpu.memory_space<hbm>> -> memref<128xi32, #tpu.memory_space<hbm>>
        %dma_start3A_20 = tpu.memref_slice %arg4[%add3A_14] : memref<323584xi32, #tpu.memory_space<hbm>> -> memref<128xi32, #tpu.memory_space<hbm>>
        tpu.enqueue_dma source(%dma_start3A_20 : memref<128xi32, #tpu.memory_space<hbm>>) target(%arg8 : memref<128xi32, #tpu.memory_space<vmem>>) target_semaphore(%run_scoped3A : memref<!tpu.dma_semaphore, #tpu.memory_space<semaphore_mem>>)
        %dma_wait3A_21 = tpu.memref_slice %arg4[%add3A_14] : memref<323584xi32, #tpu.memory_space<hbm>> -> memref<128xi32, #tpu.memory_space<hbm>>
        %dma_wait3A_22 = tpu.memref_slice %arg4[%add3A_14] : memref<323584xi32, #tpu.memory_space<hbm>> -> memref<128xi32, #tpu.memory_space<hbm>>
        tpu.wait_dma2 semaphore(%run_scoped3A : memref<!tpu.dma_semaphore, #tpu.memory_space<semaphore_mem>>) src(%dma_wait3A_22 : memref<128xi32, #tpu.memory_space<hbm>>) dst(%arg8 : memref<128xi32, #tpu.memory_space<vmem>>)
        tpu.yield
      }) : () -> ()
      %dma_start3A = arith.constant 0 : i32
      %dma_start3A_15 = arith.constant 0 : i32
      %dma_start3A_16 = tpu.memref_slice %arg2[%dma_start3A, %dma_start3A_15] : memref<10000x128xf32, #tpu.memory_space<hbm>> -> memref<10000x128xf32, #tpu.memory_space<hbm>>
      tpu.enqueue_indirect_dma source(%dma_start3A_16 : memref<10000x128xf32, #tpu.memory_space<hbm>>) target(%arg9 : memref<128x128xf32, #tpu.memory_space<vmem>>) offsets(%arg7 : memref<128xi32, #tpu.memory_space<vmem>>) semaphore(%arg11 : memref<!tpu.dma_semaphore, #tpu.memory_space<semaphore_mem>>)
      %dma_wait3A = arith.constant 0 : i32
      %dma_wait3A_17 = arith.constant 0 : i32
      %dma_wait3A_18 = tpu.memref_slice %arg2[%dma_wait3A, %dma_wait3A_17] : memref<10000x128xf32, #tpu.memory_space<hbm>> -> memref<10000x128xf32, #tpu.memory_space<hbm>>
      tpu.wait_indirect_dma semaphore(%arg11 : memref<!tpu.dma_semaphore, #tpu.memory_space<semaphore_mem>>) src(%dma_wait3A_18 : memref<10000x128xf32, #tpu.memory_space<hbm>>) dst(%arg9 : memref<128x128xf32, #tpu.memory_space<vmem>>)
      "tpu.region"() ({
        %run_scoped3A = tpu.sem_alloc : memref<!tpu.dma_semaphore, #tpu.memory_space<semaphore_mem>>
        %dma_start3A_19 = arith.constant 0 : i32
        %dma_start3A_20 = arith.constant 0 : i32
        %dma_start3A_21 = tpu.memref_slice %arg10[%dma_start3A_19, %dma_start3A_20] : memref<10112x128xf32, #tpu.memory_space<vmem_shared>> -> memref<10112x128xf32, #tpu.memory_space<vmem_shared>>
        tpu.enqueue_indirect_dma source(%arg9 : memref<128x128xf32, #tpu.memory_space<vmem>>) target(%dma_start3A_21 : memref<10112x128xf32, #tpu.memory_space<vmem_shared>>) offsets(%arg8 : memref<128xi32, #tpu.memory_space<vmem>>) semaphore(%run_scoped3A : memref<!tpu.dma_semaphore, #tpu.memory_space<semaphore_mem>>) {add = true}
        %dma_wait3A_22 = arith.constant 0 : i32
        %dma_wait3A_23 = arith.constant 0 : i32
        %dma_wait3A_24 = tpu.memref_slice %arg10[%dma_wait3A_22, %dma_wait3A_23] : memref<10112x128xf32, #tpu.memory_space<vmem_shared>> -> memref<10112x128xf32, #tpu.memory_space<vmem_shared>>
        tpu.wait_indirect_dma semaphore(%run_scoped3A : memref<!tpu.dma_semaphore, #tpu.memory_space<semaphore_mem>>) src(%arg9 : memref<128x128xf32, #tpu.memory_space<vmem>>) dst(%dma_wait3A_24 : memref<10112x128xf32, #tpu.memory_space<vmem_shared>>)
        tpu.yield
      }) : () -> ()
    }
    %scan3A_9 = arith.constant 79 : i32
    %barrier3A_10 = arith.constant 0 : index
    tpu.barrier barrier_id(%barrier3A_10)
    "tpu.region"() ({
      %run_scoped3A = tpu.sem_alloc : memref<!tpu.dma_semaphore, #tpu.memory_space<semaphore_mem>>
      %dma_start3A = arith.constant 0 : i32
      %dma_start3A_11 = tpu.memref_slice %arg6[%arg0, %mul3A_0, %dma_start3A] : memref<2x10112x128xf32, #tpu.memory_space<hbm>> -> memref<1x632x128xf32, #tpu.memory_space<hbm>>
      %dma_start3A_12 = tpu.memref_squeeze %dma_start3A_11 : memref<1x632x128xf32, #tpu.memory_space<hbm>> -> memref<632x128xf32, #tpu.memory_space<hbm>>
      %dma_start3A_13 = arith.constant 0 : i32
      %dma_start3A_14 = tpu.memref_slice %arg10[%mul3A_0, %dma_start3A_13] : memref<10112x128xf32, #tpu.memory_space<vmem_shared>> -> memref<632x128xf32, #tpu.memory_space<vmem_shared>>
      tpu.enqueue_dma source(%dma_start3A_14 : memref<632x128xf32, #tpu.memory_space<vmem_shared>>) target(%dma_start3A_12 : memref<632x128xf32, #tpu.memory_space<hbm>>) target_semaphore(%run_scoped3A : memref<!tpu.dma_semaphore, #tpu.memory_space<semaphore_mem>>)
      %dma_wait3A = arith.constant 0 : i32
      %dma_wait3A_15 = tpu.memref_slice %arg6[%arg0, %mul3A_0, %dma_wait3A] : memref<2x10112x128xf32, #tpu.memory_space<hbm>> -> memref<1x632x128xf32, #tpu.memory_space<hbm>>
      %dma_wait3A_16 = tpu.memref_squeeze %dma_wait3A_15 : memref<1x632x128xf32, #tpu.memory_space<hbm>> -> memref<632x128xf32, #tpu.memory_space<hbm>>
      %dma_wait3A_17 = arith.constant 0 : i32
      %dma_wait3A_18 = tpu.memref_slice %arg10[%mul3A_0, %dma_wait3A_17] : memref<10112x128xf32, #tpu.memory_space<vmem_shared>> -> memref<632x128xf32, #tpu.memory_space<vmem_shared>>
      tpu.wait_dma2 semaphore(%run_scoped3A : memref<!tpu.dma_semaphore, #tpu.memory_space<semaphore_mem>>) src(%dma_wait3A_18 : memref<632x128xf32, #tpu.memory_space<vmem_shared>>) dst(%dma_wait3A_16 : memref<632x128xf32, #tpu.memory_space<hbm>>)
      tpu.yield
    }) : () -> ()
    return
  }
}

#map = affine_map<(d0, d1) -> (0, 0)>
#map1 = affine_map<(d0, d1) -> (0)>
#map2 = affine_map<(d0, d1) -> (0, 0, 0)>
module attributes {stable_mosaic.version = 14 : i64} {
  func.func @_msg_body(%arg0: i32, %arg1: i32, %arg2: memref<10000x128xf32, #tpu.memory_space<hbm>>, %arg3: memref<323584xi32, #tpu.memory_space<hbm>>, %arg4: memref<323584xi32, #tpu.memory_space<hbm>>, %arg5: memref<10112x128xf32, #tpu.memory_space<hbm>>, %arg6: memref<2x10112x128xf32, #tpu.memory_space<hbm>>, %arg7: memref<128xi32, #tpu.memory_space<vmem>>, %arg8: memref<128xi32, #tpu.memory_space<vmem>>, %arg9: memref<128x128xf32, #tpu.memory_space<vmem>>, %arg10: memref<10112x128xf32, #tpu.memory_space<vmem_shared>>, %arg11: memref<!tpu.dma_semaphore, #tpu.memory_space<semaphore_mem>>) attributes {dimension_semantics = [#tpu.dimension_semantics<core_parallel>, #tpu.dimension_semantics<subcore_parallel>], iteration_bounds = array<i64: 2, 16>, scalar_prefetch = 0 : i64, scratch_operands = 5 : i64, tpu.core_type = #tpu.core_type<sc_vector_subcore>, window_params = [{transform_indices = #map}, {transform_indices = #map1}, {transform_indices = #map1}, {transform_indices = #map}, {transform_indices = #map2}]} {
    %mul3A = arith.constant 632 : i32
    %mul3A_0 = arith.muli %arg1, %mul3A : i32
    "tpu.region"() ({
      %run_scoped3A = tpu.sem_alloc : memref<!tpu.dma_semaphore, #tpu.memory_space<semaphore_mem>>
      %dma_start3A = arith.constant 0 : i32
      %dma_start3A_11 = tpu.memref_slice %arg10[%mul3A_0, %dma_start3A] : memref<10112x128xf32, #tpu.memory_space<vmem_shared>> -> memref<632x128xf32, #tpu.memory_space<vmem_shared>>
      %dma_start3A_12 = arith.constant 0 : i32
      %dma_start3A_13 = tpu.memref_slice %arg5[%mul3A_0, %dma_start3A_12] : memref<10112x128xf32, #tpu.memory_space<hbm>> -> memref<632x128xf32, #tpu.memory_space<hbm>>
      tpu.enqueue_dma source(%dma_start3A_13 : memref<632x128xf32, #tpu.memory_space<hbm>>) target(%dma_start3A_11 : memref<632x128xf32, #tpu.memory_space<vmem_shared>>) target_semaphore(%run_scoped3A : memref<!tpu.dma_semaphore, #tpu.memory_space<semaphore_mem>>)
      %dma_wait3A = arith.constant 0 : i32
      %dma_wait3A_14 = tpu.memref_slice %arg10[%mul3A_0, %dma_wait3A] : memref<10112x128xf32, #tpu.memory_space<vmem_shared>> -> memref<632x128xf32, #tpu.memory_space<vmem_shared>>
      %dma_wait3A_15 = arith.constant 0 : i32
      %dma_wait3A_16 = tpu.memref_slice %arg5[%mul3A_0, %dma_wait3A_15] : memref<10112x128xf32, #tpu.memory_space<hbm>> -> memref<632x128xf32, #tpu.memory_space<hbm>>
      tpu.wait_dma2 semaphore(%run_scoped3A : memref<!tpu.dma_semaphore, #tpu.memory_space<semaphore_mem>>) src(%dma_wait3A_16 : memref<632x128xf32, #tpu.memory_space<hbm>>) dst(%dma_wait3A_14 : memref<632x128xf32, #tpu.memory_space<vmem_shared>>)
      tpu.yield
    }) : () -> ()
    %barrier3A = arith.constant 0 : index
    tpu.barrier barrier_id(%barrier3A)
    %mul3A_1 = arith.constant 161792 : i32
    %mul3A_2 = arith.muli %arg0, %mul3A_1 : i32
    %mul3A_3 = arith.constant 10112 : i32
    %mul3A_4 = arith.muli %arg1, %mul3A_3 : i32
    %add3A = arith.addi %mul3A_2, %mul3A_4 : i32
    %scan3A = arith.constant 0 : i32
    %scan3A_5 = arith.constant 0 : i32
    %scan3A_6 = arith.constant 79 : i32
    %scan3A_7 = arith.addi %scan3A_5, %scan3A_6 : i32
    %scan3A_8 = arith.constant 1 : i32
    scf.for %scan3A_11 = %scan3A_5 to %scan3A_7 step %scan3A_8  : i32 {
      %mul3A_12 = arith.constant 128 : i32
      %mul3A_13 = arith.muli %scan3A_11, %mul3A_12 : i32
      %add3A_14 = arith.addi %add3A, %mul3A_13 : i32
      "tpu.region"() ({
        %run_scoped3A = tpu.sem_alloc : memref<!tpu.dma_semaphore, #tpu.memory_space<semaphore_mem>>
        %dma_start3A_19 = tpu.memref_slice %arg3[%add3A_14] : memref<323584xi32, #tpu.memory_space<hbm>> -> memref<128xi32, #tpu.memory_space<hbm>>
        %dma_start3A_20 = tpu.memref_slice %arg3[%add3A_14] : memref<323584xi32, #tpu.memory_space<hbm>> -> memref<128xi32, #tpu.memory_space<hbm>>
        tpu.enqueue_dma source(%dma_start3A_20 : memref<128xi32, #tpu.memory_space<hbm>>) target(%arg7 : memref<128xi32, #tpu.memory_space<vmem>>) target_semaphore(%run_scoped3A : memref<!tpu.dma_semaphore, #tpu.memory_space<semaphore_mem>>)
        %dma_wait3A_21 = tpu.memref_slice %arg3[%add3A_14] : memref<323584xi32, #tpu.memory_space<hbm>> -> memref<128xi32, #tpu.memory_space<hbm>>
        %dma_wait3A_22 = tpu.memref_slice %arg3[%add3A_14] : memref<323584xi32, #tpu.memory_space<hbm>> -> memref<128xi32, #tpu.memory_space<hbm>>
        tpu.wait_dma2 semaphore(%run_scoped3A : memref<!tpu.dma_semaphore, #tpu.memory_space<semaphore_mem>>) src(%dma_wait3A_22 : memref<128xi32, #tpu.memory_space<hbm>>) dst(%arg7 : memref<128xi32, #tpu.memory_space<vmem>>)
        tpu.yield
      }) : () -> ()
      "tpu.region"() ({
        %run_scoped3A = tpu.sem_alloc : memref<!tpu.dma_semaphore, #tpu.memory_space<semaphore_mem>>
        %dma_start3A_19 = tpu.memref_slice %arg4[%add3A_14] : memref<323584xi32, #tpu.memory_space<hbm>> -> memref<128xi32, #tpu.memory_space<hbm>>
        %dma_start3A_20 = tpu.memref_slice %arg4[%add3A_14] : memref<323584xi32, #tpu.memory_space<hbm>> -> memref<128xi32, #tpu.memory_space<hbm>>
        tpu.enqueue_dma source(%dma_start3A_20 : memref<128xi32, #tpu.memory_space<hbm>>) target(%arg8 : memref<128xi32, #tpu.memory_space<vmem>>) target_semaphore(%run_scoped3A : memref<!tpu.dma_semaphore, #tpu.memory_space<semaphore_mem>>)
        %dma_wait3A_21 = tpu.memref_slice %arg4[%add3A_14] : memref<323584xi32, #tpu.memory_space<hbm>> -> memref<128xi32, #tpu.memory_space<hbm>>
        %dma_wait3A_22 = tpu.memref_slice %arg4[%add3A_14] : memref<323584xi32, #tpu.memory_space<hbm>> -> memref<128xi32, #tpu.memory_space<hbm>>
        tpu.wait_dma2 semaphore(%run_scoped3A : memref<!tpu.dma_semaphore, #tpu.memory_space<semaphore_mem>>) src(%dma_wait3A_22 : memref<128xi32, #tpu.memory_space<hbm>>) dst(%arg8 : memref<128xi32, #tpu.memory_space<vmem>>)
        tpu.yield
      }) : () -> ()
      %dma_start3A = arith.constant 0 : i32
      %dma_start3A_15 = arith.constant 0 : i32
      %dma_start3A_16 = tpu.memref_slice %arg2[%dma_start3A, %dma_start3A_15] : memref<10000x128xf32, #tpu.memory_space<hbm>> -> memref<10000x128xf32, #tpu.memory_space<hbm>>
      tpu.enqueue_indirect_dma source(%dma_start3A_16 : memref<10000x128xf32, #tpu.memory_space<hbm>>) target(%arg9 : memref<128x128xf32, #tpu.memory_space<vmem>>) offsets(%arg7 : memref<128xi32, #tpu.memory_space<vmem>>) semaphore(%arg11 : memref<!tpu.dma_semaphore, #tpu.memory_space<semaphore_mem>>)
      %dma_wait3A = arith.constant 0 : i32
      %dma_wait3A_17 = arith.constant 0 : i32
      %dma_wait3A_18 = tpu.memref_slice %arg2[%dma_wait3A, %dma_wait3A_17] : memref<10000x128xf32, #tpu.memory_space<hbm>> -> memref<10000x128xf32, #tpu.memory_space<hbm>>
      tpu.wait_indirect_dma semaphore(%arg11 : memref<!tpu.dma_semaphore, #tpu.memory_space<semaphore_mem>>) src(%dma_wait3A_18 : memref<10000x128xf32, #tpu.memory_space<hbm>>) dst(%arg9 : memref<128x128xf32, #tpu.memory_space<vmem>>)
      "tpu.region"() ({
        %run_scoped3A = tpu.sem_alloc : memref<!tpu.dma_semaphore, #tpu.memory_space<semaphore_mem>>
        %dma_start3A_19 = arith.constant 0 : i32
        %dma_start3A_20 = arith.constant 0 : i32
        %dma_start3A_21 = tpu.memref_slice %arg10[%dma_start3A_19, %dma_start3A_20] : memref<10112x128xf32, #tpu.memory_space<vmem_shared>> -> memref<10112x128xf32, #tpu.memory_space<vmem_shared>>
        tpu.enqueue_indirect_dma source(%arg9 : memref<128x128xf32, #tpu.memory_space<vmem>>) target(%dma_start3A_21 : memref<10112x128xf32, #tpu.memory_space<vmem_shared>>) offsets(%arg8 : memref<128xi32, #tpu.memory_space<vmem>>) semaphore(%run_scoped3A : memref<!tpu.dma_semaphore, #tpu.memory_space<semaphore_mem>>) {add = true}
        %dma_wait3A_22 = arith.constant 0 : i32
        %dma_wait3A_23 = arith.constant 0 : i32
        %dma_wait3A_24 = tpu.memref_slice %arg10[%dma_wait3A_22, %dma_wait3A_23] : memref<10112x128xf32, #tpu.memory_space<vmem_shared>> -> memref<10112x128xf32, #tpu.memory_space<vmem_shared>>
        tpu.wait_indirect_dma semaphore(%run_scoped3A : memref<!tpu.dma_semaphore, #tpu.memory_space<semaphore_mem>>) src(%arg9 : memref<128x128xf32, #tpu.memory_space<vmem>>) dst(%dma_wait3A_24 : memref<10112x128xf32, #tpu.memory_space<vmem_shared>>)
        tpu.yield
      }) : () -> ()
    }
    %scan3A_9 = arith.constant 79 : i32
    %barrier3A_10 = arith.constant 0 : index
    tpu.barrier barrier_id(%barrier3A_10)
    "tpu.region"() ({
      %run_scoped3A = tpu.sem_alloc : memref<!tpu.dma_semaphore, #tpu.memory_space<semaphore_mem>>
      %dma_start3A = arith.constant 0 : i32
      %dma_start3A_11 = tpu.memref_slice %arg6[%arg0, %mul3A_0, %dma_start3A] : memref<2x10112x128xf32, #tpu.memory_space<hbm>> -> memref<1x632x128xf32, #tpu.memory_space<hbm>>
      %dma_start3A_12 = tpu.memref_squeeze %dma_start3A_11 : memref<1x632x128xf32, #tpu.memory_space<hbm>> -> memref<632x128xf32, #tpu.memory_space<hbm>>
      %dma_start3A_13 = arith.constant 0 : i32
      %dma_start3A_14 = tpu.memref_slice %arg10[%mul3A_0, %dma_start3A_13] : memref<10112x128xf32, #tpu.memory_space<vmem_shared>> -> memref<632x128xf32, #tpu.memory_space<vmem_shared>>
      tpu.enqueue_dma source(%dma_start3A_14 : memref<632x128xf32, #tpu.memory_space<vmem_shared>>) target(%dma_start3A_12 : memref<632x128xf32, #tpu.memory_space<hbm>>) target_semaphore(%run_scoped3A : memref<!tpu.dma_semaphore, #tpu.memory_space<semaphore_mem>>)
      %dma_wait3A = arith.constant 0 : i32
      %dma_wait3A_15 = tpu.memref_slice %arg6[%arg0, %mul3A_0, %dma_wait3A] : memref<2x10112x128xf32, #tpu.memory_space<hbm>> -> memref<1x632x128xf32, #tpu.memory_space<hbm>>
      %dma_wait3A_16 = tpu.memref_squeeze %dma_wait3A_15 : memref<1x632x128xf32, #tpu.memory_space<hbm>> -> memref<632x128xf32, #tpu.memory_space<hbm>>
      %dma_wait3A_17 = arith.constant 0 : i32
      %dma_wait3A_18 = tpu.memref_slice %arg10[%mul3A_0, %dma_wait3A_17] : memref<10112x128xf32, #tpu.memory_space<vmem_shared>> -> memref<632x128xf32, #tpu.memory_space<vmem_shared>>
      tpu.wait_dma2 semaphore(%run_scoped3A : memref<!tpu.dma_semaphore, #tpu.memory_space<semaphore_mem>>) src(%dma_wait3A_18 : memref<632x128xf32, #tpu.memory_space<vmem_shared>>) dst(%dma_wait3A_16 : memref<632x128xf32, #tpu.memory_space<hbm>>)
      tpu.yield
    }) : () -> ()
    return
  }
}

module attributes {stable_mosaic.version = 14 : i64} {
  func.func @_tc_first_body(%arg0: memref<10000x128xf32, #tpu.memory_space<vmem>>, %arg1: memref<128x128xf32, #tpu.memory_space<vmem>>, %arg2: memref<10000x1xf32, #tpu.memory_space<vmem>>, %arg3: memref<10000x1xf32, #tpu.memory_space<vmem>>, %arg4: memref<10000x128xf32, #tpu.memory_space<vmem>>) attributes {dimension_semantics = [], scalar_prefetch = 0 : i64, scratch_operands = 0 : i64, tpu.core_type = #tpu.core_type<tc>} {
    %get3A = arith.constant 0 : index
    %get3A_0 = arith.constant 0 : index
    %get3A_1 = vector.load %arg2[%get3A, %get3A_0] : memref<10000x1xf32, #tpu.memory_space<vmem>>, vector<10000x1xf32>
    %get3A_2 = arith.constant 0 : index
    %get3A_3 = arith.constant 0 : index
    %get3A_4 = vector.load %arg3[%get3A_2, %get3A_3] : memref<10000x1xf32, #tpu.memory_space<vmem>>, vector<10000x1xf32>
    %add3A = arith.addf %get3A_1, %get3A_4 : vector<10000x1xf32>
    %add3A_5 = arith.constant 1.000000e+00 : f32
    %add3A_6 = vector.broadcast %add3A_5 : f32 to vector<10000x1xf32>
    %add3A_7 = arith.addf %add3A, %add3A_6 : vector<10000x1xf32>
    %rsqrt3A = math.rsqrt %add3A_7 : vector<10000x1xf32>
    %get3A_8 = arith.constant 0 : index
    %get3A_9 = arith.constant 0 : index
    %get3A_10 = vector.load %arg0[%get3A_8, %get3A_9] : memref<10000x128xf32, #tpu.memory_space<vmem>>, vector<10000x128xf32>
    %get3A_11 = arith.constant 0 : index
    %get3A_12 = arith.constant 0 : index
    %get3A_13 = vector.load %arg1[%get3A_11, %get3A_12] : memref<128x128xf32, #tpu.memory_space<vmem>>, vector<128x128xf32>
    %dot_general3A = arith.constant dense<0.000000e+00> : vector<10000x128xf32>
    %dot_general3A_14 = tpu.matmul %get3A_10, %get3A_13, %dot_general3A {dimension_numbers = #tpu.dot_dimension_numbers<[1], [0], [0], [1], [0, 0, 1, 1], [], []>, transpose_lhs_hint = false} : vector<10000x128xf32>, vector<128x128xf32>, vector<10000x128xf32> -> vector<10000x128xf32>
    %mul3A = vector.broadcast %rsqrt3A : vector<10000x1xf32> to vector<10000x128xf32>
    %mul3A_15 = arith.mulf %dot_general3A_14, %mul3A : vector<10000x128xf32>
    %swap3A = arith.constant 0 : index
    %swap3A_16 = arith.constant 0 : index
    %swap3A_17 = vector.load %arg4[%swap3A, %swap3A_16] : memref<10000x128xf32, #tpu.memory_space<vmem>>, vector<10000x128xf32>
    tpu.vector_store %arg4[%swap3A, %swap3A_16], %mul3A_15 {strides = array<i32>} : memref<10000x128xf32, #tpu.memory_space<vmem>>, vector<10000x128xf32>,
    return
  }
}

module attributes {stable_mosaic.version = 14 : i64} {
  func.func @_tc_mid_body(%arg0: memref<2x10112x128xf32, #tpu.memory_space<vmem>>, %arg1: memref<10000x128xf32, #tpu.memory_space<vmem>>, %arg2: memref<10000x1xf32, #tpu.memory_space<vmem>>, %arg3: memref<10000x1xf32, #tpu.memory_space<vmem>>, %arg4: memref<1x128xf32, #tpu.memory_space<vmem>>, %arg5: memref<128x128xf32, #tpu.memory_space<vmem>>, %arg6: memref<10000x128xf32, #tpu.memory_space<vmem>>) attributes {dimension_semantics = [], scalar_prefetch = 0 : i64, scratch_operands = 0 : i64, tpu.core_type = #tpu.core_type<tc>} {
    %get3A = arith.constant 0 : index
    %get3A_0 = arith.constant 0 : index
    %get3A_1 = vector.load %arg2[%get3A, %get3A_0] : memref<10000x1xf32, #tpu.memory_space<vmem>>, vector<10000x1xf32>
    %get3A_2 = arith.constant 0 : index
    %get3A_3 = arith.constant 0 : index
    %get3A_4 = vector.load %arg3[%get3A_2, %get3A_3] : memref<10000x1xf32, #tpu.memory_space<vmem>>, vector<10000x1xf32>
    %add3A = arith.addf %get3A_1, %get3A_4 : vector<10000x1xf32>
    %add3A_5 = arith.constant 1.000000e+00 : f32
    %add3A_6 = vector.broadcast %add3A_5 : f32 to vector<10000x1xf32>
    %add3A_7 = arith.addf %add3A, %add3A_6 : vector<10000x1xf32>
    %rsqrt3A = math.rsqrt %add3A_7 : vector<10000x1xf32>
    %get3A_8 = arith.constant 0 : index
    %get3A_9 = arith.constant 0 : index
    %get3A_10 = arith.constant 0 : index
    %get3A_11 = vector.load %arg0[%get3A_8, %get3A_9, %get3A_10] : memref<2x10112x128xf32, #tpu.memory_space<vmem>>, vector<1x10000x128xf32>
    %get3A_12 = vector.shape_cast %get3A_11 : vector<1x10000x128xf32> to vector<10000x128xf32>
    %get3A_13 = arith.constant 1 : index
    %get3A_14 = arith.constant 0 : index
    %get3A_15 = arith.constant 0 : index
    %get3A_16 = vector.load %arg0[%get3A_13, %get3A_14, %get3A_15] : memref<2x10112x128xf32, #tpu.memory_space<vmem>>, vector<1x10000x128xf32>
    %get3A_17 = vector.shape_cast %get3A_16 : vector<1x10000x128xf32> to vector<10000x128xf32>
    %add3A_18 = arith.addf %get3A_12, %get3A_17 : vector<10000x128xf32>
    %get3A_19 = arith.constant 0 : index
    %get3A_20 = arith.constant 0 : index
    %get3A_21 = vector.load %arg1[%get3A_19, %get3A_20] : memref<10000x128xf32, #tpu.memory_space<vmem>>, vector<10000x128xf32>
    %add3A_22 = arith.addf %add3A_18, %get3A_21 : vector<10000x128xf32>
    %mul3A = vector.broadcast %rsqrt3A : vector<10000x1xf32> to vector<10000x128xf32>
    %mul3A_23 = arith.mulf %add3A_22, %mul3A : vector<10000x128xf32>
    %get3A_24 = arith.constant 0 : index
    %get3A_25 = arith.constant 0 : index
    %get3A_26 = vector.load %arg4[%get3A_24, %get3A_25] : memref<1x128xf32, #tpu.memory_space<vmem>>, vector<1x128xf32>
    %add3A_27 = vector.broadcast %get3A_26 : vector<1x128xf32> to vector<10000x128xf32>
    %add3A_28 = arith.addf %mul3A_23, %add3A_27 : vector<10000x128xf32>
    %max3A = arith.constant 0.000000e+00 : f32
    %max3A_29 = vector.broadcast %max3A : f32 to vector<10000x128xf32>
    %max3A_30 = arith.maximumf %add3A_28, %max3A_29 : vector<10000x128xf32>
    %get3A_31 = arith.constant 0 : index
    %get3A_32 = arith.constant 0 : index
    %get3A_33 = vector.load %arg5[%get3A_31, %get3A_32] : memref<128x128xf32, #tpu.memory_space<vmem>>, vector<128x128xf32>
    %dot_general3A = arith.constant dense<0.000000e+00> : vector<10000x128xf32>
    %dot_general3A_34 = tpu.matmul %max3A_30, %get3A_33, %dot_general3A {dimension_numbers = #tpu.dot_dimension_numbers<[1], [0], [0], [1], [0, 0, 1, 1], [], []>, transpose_lhs_hint = false} : vector<10000x128xf32>, vector<128x128xf32>, vector<10000x128xf32> -> vector<10000x128xf32>
    %mul3A_35 = vector.broadcast %rsqrt3A : vector<10000x1xf32> to vector<10000x128xf32>
    %mul3A_36 = arith.mulf %dot_general3A_34, %mul3A_35 : vector<10000x128xf32>
    %swap3A = arith.constant 0 : index
    %swap3A_37 = arith.constant 0 : index
    %swap3A_38 = vector.load %arg6[%swap3A, %swap3A_37] : memref<10000x128xf32, #tpu.memory_space<vmem>>, vector<10000x128xf32>
    tpu.vector_store %arg6[%swap3A, %swap3A_37], %mul3A_36 {strides = array<i32>} : memref<10000x128xf32, #tpu.memory_space<vmem>>, vector<10000x128xf32>,
    return
  }
}

module attributes {stable_mosaic.version = 14 : i64} {
  func.func @_tc_head_body(%arg0: memref<2x10112x128xf32, #tpu.memory_space<vmem>>, %arg1: memref<10000x128xf32, #tpu.memory_space<vmem>>, %arg2: memref<10000x1xf32, #tpu.memory_space<vmem>>, %arg3: memref<10000x1xf32, #tpu.memory_space<vmem>>, %arg4: memref<1x128xf32, #tpu.memory_space<vmem>>, %arg5: memref<1x10000xi32, #tpu.memory_space<vmem>>, %arg6: memref<128x128xf32, #tpu.memory_space<vmem>>, %arg7: memref<1x128xf32, #tpu.memory_space<vmem>>, %arg8: memref<128x10xf32, #tpu.memory_space<vmem>>, %arg9: memref<1x10xf32, #tpu.memory_space<vmem>>, %arg10: memref<64x10xf32, #tpu.memory_space<vmem>>) attributes {dimension_semantics = [], scalar_prefetch = 0 : i64, scratch_operands = 0 : i64, tpu.core_type = #tpu.core_type<tc>} {
    %get3A = arith.constant 0 : index
    %get3A_0 = arith.constant 0 : index
    %get3A_1 = vector.load %arg2[%get3A, %get3A_0] : memref<10000x1xf32, #tpu.memory_space<vmem>>, vector<10000x1xf32>
    %get3A_2 = arith.constant 0 : index
    %get3A_3 = arith.constant 0 : index
    %get3A_4 = vector.load %arg3[%get3A_2, %get3A_3] : memref<10000x1xf32, #tpu.memory_space<vmem>>, vector<10000x1xf32>
    %add3A = arith.addf %get3A_1, %get3A_4 : vector<10000x1xf32>
    %add3A_5 = arith.constant 1.000000e+00 : f32
    %add3A_6 = vector.broadcast %add3A_5 : f32 to vector<10000x1xf32>
    %add3A_7 = arith.addf %add3A, %add3A_6 : vector<10000x1xf32>
    %rsqrt3A = math.rsqrt %add3A_7 : vector<10000x1xf32>
    %get3A_8 = arith.constant 0 : index
    %get3A_9 = arith.constant 0 : index
    %get3A_10 = arith.constant 0 : index
    %get3A_11 = vector.load %arg0[%get3A_8, %get3A_9, %get3A_10] : memref<2x10112x128xf32, #tpu.memory_space<vmem>>, vector<1x10000x128xf32>
    %get3A_12 = vector.shape_cast %get3A_11 : vector<1x10000x128xf32> to vector<10000x128xf32>
    %get3A_13 = arith.constant 1 : index
    %get3A_14 = arith.constant 0 : index
    %get3A_15 = arith.constant 0 : index
    %get3A_16 = vector.load %arg0[%get3A_13, %get3A_14, %get3A_15] : memref<2x10112x128xf32, #tpu.memory_space<vmem>>, vector<1x10000x128xf32>
    %get3A_17 = vector.shape_cast %get3A_16 : vector<1x10000x128xf32> to vector<10000x128xf32>
    %add3A_18 = arith.addf %get3A_12, %get3A_17 : vector<10000x128xf32>
    %get3A_19 = arith.constant 0 : index
    %get3A_20 = arith.constant 0 : index
    %get3A_21 = vector.load %arg1[%get3A_19, %get3A_20] : memref<10000x128xf32, #tpu.memory_space<vmem>>, vector<10000x128xf32>
    %add3A_22 = arith.addf %add3A_18, %get3A_21 : vector<10000x128xf32>
    %mul3A = vector.broadcast %rsqrt3A : vector<10000x1xf32> to vector<10000x128xf32>
    %mul3A_23 = arith.mulf %add3A_22, %mul3A : vector<10000x128xf32>
    %get3A_24 = arith.constant 0 : index
    %get3A_25 = arith.constant 0 : index
    %get3A_26 = vector.load %arg4[%get3A_24, %get3A_25] : memref<1x128xf32, #tpu.memory_space<vmem>>, vector<1x128xf32>
    %add3A_27 = vector.broadcast %get3A_26 : vector<1x128xf32> to vector<10000x128xf32>
    %add3A_28 = arith.addf %mul3A_23, %add3A_27 : vector<10000x128xf32>
    %iota3A = tpu.iota {dimensions = array<i32: 0>} : vector<64x10000xi32>
    %get3A_29 = arith.constant 0 : index
    %get3A_30 = arith.constant 0 : index
    %get3A_31 = vector.load %arg5[%get3A_29, %get3A_30] : memref<1x10000xi32, #tpu.memory_space<vmem>>, vector<1x10000xi32>
    %eq3A = vector.broadcast %get3A_31 : vector<1x10000xi32> to vector<64x10000xi32>
    %eq3A_32 = arith.cmpi eq, %iota3A, %eq3A : vector<64x10000xi32>
    %convert_element_type3A = arith.extui %eq3A_32 : vector<64x10000xi1> to vector<64x10000xi32>
    %convert_element_type3A_33 = arith.sitofp %convert_element_type3A : vector<64x10000xi32> to vector<64x10000xf32>
    %reduce_sum3A = arith.constant dense<0.000000e+00> : vector<64xf32>
    %reduce_sum3A_34 = vector.multi_reduction <add>, %convert_element_type3A_33, %reduce_sum3A [1] : vector<64x10000xf32> to vector<64xf32>
    %broadcast_in_dim3A = vector.shape_cast %reduce_sum3A_34 : vector<64xf32> to vector<64x1xf32>
    %dot_general3A = arith.constant dense<0.000000e+00> : vector<64x128xf32>
    %dot_general3A_35 = tpu.matmul %convert_element_type3A_33, %add3A_28, %dot_general3A {dimension_numbers = #tpu.dot_dimension_numbers<[1], [0], [0], [1], [0, 0, 1, 1], [], []>, transpose_lhs_hint = false} : vector<64x10000xf32>, vector<10000x128xf32>, vector<64x128xf32> -> vector<64x128xf32>
    %max3A = arith.constant 1.000000e+00 : f32
    %max3A_36 = vector.broadcast %max3A : f32 to vector<64x1xf32>
    %max3A_37 = arith.maximumf %broadcast_in_dim3A, %max3A_36 : vector<64x1xf32>
    %div3A = vector.broadcast %max3A_37 : vector<64x1xf32> to vector<64x128xf32>
    %div3A_38 = arith.divf %dot_general3A_35, %div3A : vector<64x128xf32>
    %get3A_39 = arith.constant 0 : index
    %get3A_40 = arith.constant 0 : index
    %get3A_41 = vector.load %arg6[%get3A_39, %get3A_40] : memref<128x128xf32, #tpu.memory_space<vmem>>, vector<128x128xf32>
    %dot_general3A_42 = arith.constant dense<0.000000e+00> : vector<64x128xf32>
    %dot_general3A_43 = tpu.matmul %div3A_38, %get3A_41, %dot_general3A_42 {dimension_numbers = #tpu.dot_dimension_numbers<[1], [0], [0], [1], [0, 0, 1, 1], [], []>, transpose_lhs_hint = false} : vector<64x128xf32>, vector<128x128xf32>, vector<64x128xf32> -> vector<64x128xf32>
    %get3A_44 = arith.constant 0 : index
    %get3A_45 = arith.constant 0 : index
    %get3A_46 = vector.load %arg7[%get3A_44, %get3A_45] : memref<1x128xf32, #tpu.memory_space<vmem>>, vector<1x128xf32>
    %add3A_47 = vector.broadcast %get3A_46 : vector<1x128xf32> to vector<64x128xf32>
    %add3A_48 = arith.addf %dot_general3A_43, %add3A_47 : vector<64x128xf32>
    %max3A_49 = arith.constant 0.000000e+00 : f32
    %max3A_50 = vector.broadcast %max3A_49 : f32 to vector<64x128xf32>
    %max3A_51 = arith.maximumf %add3A_48, %max3A_50 : vector<64x128xf32>
    %get3A_52 = arith.constant 0 : index
    %get3A_53 = arith.constant 0 : index
    %get3A_54 = vector.load %arg8[%get3A_52, %get3A_53] : memref<128x10xf32, #tpu.memory_space<vmem>>, vector<128x10xf32>
    %dot_general3A_55 = arith.constant dense<0.000000e+00> : vector<64x10xf32>
    %dot_general3A_56 = tpu.matmul %max3A_51, %get3A_54, %dot_general3A_55 {dimension_numbers = #tpu.dot_dimension_numbers<[1], [0], [0], [1], [0, 0, 1, 1], [], []>, transpose_lhs_hint = false} : vector<64x128xf32>, vector<128x10xf32>, vector<64x10xf32> -> vector<64x10xf32>
    %get3A_57 = arith.constant 0 : index
    %get3A_58 = arith.constant 0 : index
    %get3A_59 = vector.load %arg9[%get3A_57, %get3A_58] : memref<1x10xf32, #tpu.memory_space<vmem>>, vector<1x10xf32>
    %add3A_60 = vector.broadcast %get3A_59 : vector<1x10xf32> to vector<64x10xf32>
    %add3A_61 = arith.addf %dot_general3A_56, %add3A_60 : vector<64x10xf32>
    %swap3A = arith.constant 0 : index
    %swap3A_62 = arith.constant 0 : index
    %swap3A_63 = vector.load %arg10[%swap3A, %swap3A_62] : memref<64x10xf32, #tpu.memory_space<vmem>>, vector<64x10xf32>
    tpu.vector_store %arg10[%swap3A, %swap3A_62], %add3A_61 {strides = array<i32>} : memref<64x10xf32, #tpu.memory_space<vmem>>, vector<64x10xf32>,
    return
  }
}

</mosaic_0001>

<sc_bundles>
// kernel: kernel.10.cloned.1.call-start
scs
__scs_entry_jumppad:
0x0: {  	(pc) =	sbr.rel $0x88, $3  }
0x1: {  	(tag) =	ssettag $0x0;
	lr =	simm.s32 $0x1  }
0x2: {  	[smem:$0x3F94] =	sst lr;
	_ =	strace $0xD0000000  }
0x3: {  	_ = 	snop  }
0x4: {  	_ = 	snop  }
0x5: {  	_ = 	snop  }
0x6: {  	_ = 	snop  }
0x7: {  	_ = 	snop  }
__scs_overlays_trampoline_lowered:
0x8: {  	[smem:$0x3FA3] =	sst s0  }
0x9: {  	[smem:$0x3FA4] =	sst s1  }
0xa: {  	[smem:$0x3FA5] =	sst s2  }
0xb: {  	[smem:$0x3FA6] =	sst s3  }
0xc: {  	[smem:$0x3FA7] =	sst s4  }
0xd: {  	[smem:$0x3FA8] =	sst s5  }
0xe: {  	[smem:$0x3FA9] =	sst s6  }
0xf: {  	[smem:$0x3FAA] =	sst s7  }
0x10: {  	[smem:$0x3FAB] =	sst s8  }
0x11: {  	[smem:$0x3FAC] =	sst s9;
	s0 =	simm.s32 @!p0 $0x0  }
0x12: {  	s1 =	sld [smem:$0x3F92];
	s0 =	simm.s32 @p0 $0x1  }
0x13: {  	[smem:$0x3FAD] =	sst s0;
	s0 =	simm.s32 @!p1 $0x0  }
0x14: {  	s2 =	sld [smem:$0x3F91];
	s0 =	simm.s32 @p1 $0x1  }
0x15: {  	[smem:$0x3FAE] =	sst s0;
	s0 =	simm.s32 @!p2 $0x0  }
0x16: {  	s3 =	sld [smem:$0x3FDB];
	s0 =	simm.s32 @p2 $0x1  }
0x17: {  	s4 =	simm.s32 $0x1BF5;
	[smem:$0x3FB0] =	sst s0  }
0x18: {  	s0 =	sld [smem:$0x3F93];
	_ =	swait.ge [sflag:s4], $0x0  }
0x19: {  	s7 =	sld [smem:$0x3F94]  }
0x1a: {  	s8 =	sadd.s32 $0xFFFFE003, lr  }
0x1b: {  	s9 =	sadd.s32 $0xFFFFFEF7, lr;
	s5 =	simm.s32 $0xFFFFFFFF;
	p2 =	slt.u32 s8, $0xFFFFF086  }
0x1c: {  	p1 =	slt.u32 s9, $0xF7A;
	s5 =	simm.s32 @!p2 $0x0  }
0x1d: {  	s5 =	simm.s32 @p1 $0x1;
	p0 =	seq.s32 s7, s2  }
0x1e: {  	s7 =	smul.u32 @!p0 $0xF7A, s2;
	p2 =	seq.s32 @!p0 s5, $0x0  }
0x1f: {  	s9 =	smul.u32 $0xF7A, s1;
	s8 =	simm.s32 @!p0 $0x1BF5;
	p2 =	por !p2, p0  }
0x20: {  	[sflag:s8] =	ssyncset.s32 @!p0 $0xFFFFF086;
	s6 =	sadd.s32 @!p0 s3, s7;
	s7 =	simm.s32 @!p0 $0x108  }
0x21: {  	s3 =	sadd.s32 s3, s9;
	s6 =	sadd.s32 @!p0 $0x88, s6;
	s7 =	simm.s32 @p2 $0x1082  }
0x22: {  	[simem:s7], [sflag:s8] =	dma.local @!p0 [hbm:s6], $0xF7A  }
0x23: {  	s9 =	sor.u32 $0xD0000000, s2;
	s6 =	simm.s32 $0x108;
	_ =	swait.ge @!p0 [sflag:s8], $0x0  }
0x24: {  	s3 =	sadd.s32 $0x88, s3;
	s6 =	simm.s32 @!p1 $0x1082;
	[sflag:s4] =	ssyncset.s32 $0xFFFFF086  }
0x25: {  	[simem:s6], [sflag:s4] =	dma.local [hbm:s3], $0xF7A  }
0x26: {  	[smem:$0x3F94] =	sst s1;
	(tag) =	ssettag s2;
	_ =	strace s9  }
0x27: {  	s1 =	sld [smem:$0x3FA4]  }
0x28: {  	s2 =	sld [smem:$0x3FA5]  }
0x29: {  	s4 =	sld [smem:$0x3FA7]  }
0x2a: {  	p0 =	seq.s32 s5, $0x0;
	s5 =	sld [smem:$0x3FA8]  }
0x2b: {  	s6 =	sld [smem:$0x3FA9]  }
0x2c: {  	s7 =	sld [smem:$0x3FAA]  }
0x2d: {  	s3 =	simm.s32 $0x108;
	s8 =	sld [smem:$0x3FAB]  }
0x2e: {  	s3 =	simm.s32 @!p0 $0x1082;
	s9 =	sld [smem:$0x3FAC]  }
0x2f: {  	lr =	sadd.s32 s0, s3;
	s0 =	sld [smem:$0x3FA3]  }
0x30: {  	s3 =	sld [smem:$0x3FA6]  }
0x31: {  	[smem:$0x3FAF] =	sst s10  }
0x32: {  	s10 =	sld [smem:$0x3FAD];
	_ =	sdelay $0x3  }
0x33: {  	p0 =	seq.s32 s10, $0x1;
	s10 =	sld [smem:$0x3FAF];
	_ =	sdelay $0x3  }
0x34: {  	[smem:$0x3FAF] =	sst s10  }
0x35: {  	s10 =	sld [smem:$0x3FAE];
	_ =	sdelay $0x3  }
0x36: {  	p1 =	seq.s32 s10, $0x1;
	s10 =	sld [smem:$0x3FAF];
	_ =	sdelay $0x3  }
0x37: {  	[smem:$0x3FAF] =	sst s10  }
0x38: {  	s10 =	sld [smem:$0x3FB0]  }
0x39: {  	_ = 	snop;
	(pc) =	sbr.ind lr, $3  }
0x3a: {  	_ = 	snop  }
0x3b: {  	_ = 	snop  }
0x3c: {  	p2 =	seq.s32 s10, $0x1;
	s10 =	sld [smem:$0x3FAF]  }
0x3d: {  	_ =	shalt  }
0x3e: {  	_ =	shalt  }
0x3f: {  	_ =	shalt  }
0x40: {  	_ =	shalt  }
0x41: {  	_ =	shalt  }
0x42: {  	_ =	shalt  }
0x43: {  	_ =	shalt  }
0x44: {  	_ =	shalt  }
0x45: {  	_ =	shalt  }
0x46: {  	_ =	shalt  }
0x47: {  	_ =	shalt  }
0x48: {  	_ =	shalt  }
0x49: {  	_ =	shalt  }
0x4a: {  	_ =	shalt  }
0x4b: {  	_ =	shalt  }
0x4c: {  	_ =	shalt  }
0x4d: {  	_ =	shalt  }
0x4e: {  	_ =	shalt  }
0x4f: {  	_ =	shalt  }
0x50: {  	_ =	shalt  }
0x51: {  	_ =	shalt  }
0x52: {  	_ =	shalt  }
0x53: {  	_ =	shalt  }
0x54: {  	_ =	shalt  }
0x55: {  	_ =	shalt  }
0x56: {  	_ =	shalt  }
0x57: {  	_ =	shalt  }
0x58: {  	_ =	shalt  }
0x59: {  	_ =	shalt  }
0x5a: {  	_ =	shalt  }
0x5b: {  	_ =	shalt  }
0x5c: {  	_ =	shalt  }
0x5d: {  	_ =	shalt  }
0x5e: {  	_ =	shalt  }
0x5f: {  	_ =	shalt  }
0x60: {  	_ =	shalt  }
0x61: {  	_ =	shalt  }
0x62: {  	_ =	shalt  }
0x63: {  	_ =	shalt  }
0x64: {  	_ =	shalt  }
0x65: {  	_ =	shalt  }
0x66: {  	_ =	shalt  }
0x67: {  	_ =	shalt  }
0x68: {  	_ =	shalt  }
0x69: {  	_ =	shalt  }
0x6a: {  	_ =	shalt  }
0x6b: {  	_ =	shalt  }
0x6c: {  	_ =	shalt  }
0x6d: {  	_ =	shalt  }
0x6e: {  	_ =	shalt  }
0x6f: {  	_ =	shalt  }
0x70: {  	_ =	shalt  }
0x71: {  	_ =	shalt  }
0x72: {  	_ =	shalt  }
0x73: {  	_ =	shalt  }
0x74: {  	_ =	shalt  }
0x75: {  	_ =	shalt  }
0x76: {  	_ =	shalt  }
0x77: {  	_ =	shalt  }
0x78: {  	_ =	shalt  }
0x79: {  	_ =	shalt  }
0x7a: {  	_ =	shalt  }
0x7b: {  	_ =	shalt  }
0x7c: {  	_ =	shalt  }
0x7d: {  	_ =	shalt  }
0x7e: {  	_ =	shalt  }
0x7f: {  	_ =	shalt  }
0x80: {  	_ =	shalt  }
0x81: {  	_ =	shalt  }
0x82: {  	_ =	shalt  }
0x83: {  	_ =	shalt  }
0x84: {  	_ =	shalt  }
0x85: {  	_ =	shalt  }
0x86: {  	_ =	shalt  }
0x87: {  	_ =	shalt  }
.Lfunc_end0:
.L_simem_size_0:
called_computation_lowered:
.L_overlay_start_0:
0x88: {  	s2 =	sld [smem:$0x3FD9]  }
0x89: {  	s3 =	sld [smem:$0x3FFE];
	_ =	sdelay $0x1  }
0x8a: {  	s1 =	srdreg.scid  }
0x8b: {  	s0 =	sand.u32 $0x1, s1  }
0x8c: {  	s16 =	sshll.u32 s0, $0xA;
	s2 =	sadd.s32 s3, s2  }
0x8d: {  	s2 =	sadd.s32 s2, s16  }
0x8e: {  	[smem:$0x3FBB] =	sst s2  }
0x8f: {  	_ = 	snop  }
0x90: {  	(tm) =	ssettm $0x1  }
0x91: {  	s17 =	sld [smem:$0x3FFB];
	_ =	sdelay $0x3  }
0x92: {  	_ =	strace s17  }
0x93: {  	s2 =	sld [smem:$0x3FFC];
	_ =	sdelay $0x3  }
0x94: {  	_ =	strace s2  }
0x95: {  	s2 =	sld [smem:$0x3FFD];
	_ =	sdelay $0x3  }
0x96: {  	_ =	strace s2  }
0x97: {  	_ =	strace $0x8FFFFFFF  }
0x98: {  	s18 =	sld [smem:$0x3FDB];
	_ =	sdelay $0x1  }
0x99: {  	s19 =	simm.s32 $_scs_section_size  }
0x9a: {  	s4 =	simm.s32 $_size__tile_overlayer_lowered;
	s5 =	simm.s32 $_tile_overlayer_lowered  }
0x9b: {  	s22 =	simm.s32 $0x1BFF;
	s21 =	sshll.u32 s5, $0x1;
	s2 =	sadd.s32 s19, s18  }
0x9c: {  	s6 =	simm.s32 $0x0;
	s20 =	sshll.u32 s4, $0x1;
	s4 =	sadd.s32 s21, s2  }
0x9d: {  	[timem:s6], [sflag:s22] =	dma.local [hbm:s4], s20  }
0x9e: {  	_ =	swait.ge [sflag:s22], s20  }
0x9f: {  	s3 =	ssub.s32 $0x0, s20;
	[sflag:s22] =	ssyncset.done $0x0  }
0xa0: {  	[sflag:s22] =	ssyncadd.s32 s3;
	_ =	sdelay $0x1  }
0xa1: {  	s23 =	simm.s32 $0x1B8B  }
0xa2: {  	_ =	swait.ge [sflag:s23], $0x1  }
0xa3: {  	[sflag:s23] =	ssyncset.done $0x0  }
0xa4: {  	s25 =	simm.s32 $0x1B8E;
	s24 =	sld [smem:$0x3FFE];
	[sflag:s23] =	ssyncadd.s32 $0xFFFFFFFF  }
0xa5: {  	s26 =	simm.s32 $execute0_lowered;
	[smem:$0x3FD2] =	sst s25  }
0xa6: {  	s4 =	sshll.u32 s26, $0x1;
	_ =	strace $0x80000046;
	[dreg:$0x1] =	wrdreg $0xFFFFFFFF  }
0xa7: {  	s28 =	simm.s32 $_size_execute0_lowered;
	s2 =	sadd.s32 s2, s4;
	[dreg:$0x0] =	wrdreg $0x0  }
0xa8: {  	s4 =	sshll.u32 s28, $0x1;
	[dreg:$0x2] =	wrdreg s2  }
0xa9: {  	[dreg:$0x3] =	wrdreg s4  }
0xaa: {  	[dreg:$0x4] =	wrdreg $0xC0  }
0xab: {  	_ =	task [dreg:s6], $0x5FFFF  }
0xac: {  	[dreg:$0x1] =	wrdreg $0xFFFFFFFF  }
0xad: {  	[dreg:$0x0] =	wrdreg $0x60  }
0xae: {  	[dreg:$0x2] =	wrdreg s24  }
0xaf: {  	[dreg:$0x3] =	wrdreg $0x7A000  }
0xb0: {  	[dreg:$0x4] =	wrdreg $0x9  }
0xb1: {  	_ =	task.clear_ibuf [dreg:s6], $0x5FFFF;
	_ =	strace $0x90000046  }
0xb2: {  	s29 =	simm.s32 $0x9;
	_ =	strace $0x80000048  }
0xb3: {  	_ =	swait.ge [sflag:s29], $0x1  }
0xb4: {  	[sflag:s29] =	ssyncadd.s32 $0xFFFFFFFF  }
0xb5: {  	_ =	strace $0x90000048  }
0xb6: {  	_ =	sfence  }
0xb7: {  	s30 =	sld [smem:$0x0];
	_ =	sdelay $0x2  }
0xb8: {  	s31 =	sshll.u32 s1, $0xD;
	s1 =	sshrl.u32 s1, $0x2  }
0xb9: {  	s3 =	sand.u32 $0x4000, s31;
	s1 =	sadd.s32 s1, s30  }
0xba: {  	s0 =	sor.u32 s3, s0;
	s1 =	sshll.u32 s1, $0x11  }
0xbb: {  	s0 =	sor.u32 s1, s0  }
0xbc: {  	s0 =	sadd.s32 $0x8F2B, s0  }
0xbd: {  	[sflag:s0] =	ssyncadd.remote.s32 $0x1  }
0xbe: {  	_ =	sfence.sel $0xFFFF  }
0xbf: {  	[dreg:$0x0] =	wrdreg $0xFFFFFFFF;
	(pc) =	sbr.abs _section_cstart, $3  }
0xc0: {  	[dreg:$0x1] =	wrdreg $0xFFFFFFFF  }
0xc1: {  	_ =	task.clear_ibuf [dreg:s6], $0x2FFFF;
	_ =	strace $0x9FFFFFFF  }
0xc2: {  	(tm) =	ssettm $0x7FFFFFFF  }
0xc3: {  	_ =	shalt  }
tec
execute0_lowered:
.L_overlay_start_1:
0x0: {  	(tag) =	ssettag $0x1  }
0x1: {  	s0 =	srdreg.scid;
	s1 =	rddreg [dreg:$0x0]  }
0x2: {  	s8 =	stileid.u32;
	s6 =	rddreg [dreg:$0x1]  }
0x3: {  	s2 =	simm.s32 $0x0;
	s24 =	simm.s32 $0x2780;
	s4 =	smul.u32 $0x2780, s8  }
0x4: {  	s25 =	simm.s32 $0x1;
	s26 =	simm.s32 $0x7500;
	s7 =	smul.u32 $0x280, s8  }
0x5: {  	s28 =	simm.s32 $0x7780;
	s0 =	sand.u32 $0x1, s0;
	s8 =	smul.u32 $0xA000, s8  }
0x6: {  	s29 =	simm.s32 $0x0;
	[smem:$0x7FF] =	sst s2;
	s3 =	smul.u32 $0x27800, s0  }
0x7: {  	s31 =	smul.u32 $0x2800, s0;
	_ =	strace $0x80000047;
	s0 =	ssub.s32 $0x2, s0  }
0x8: {  	s9 =	sshrl.u32 s0, $0x1;
	s8 =	sshrl.u32 s8, $0x2;
	s3 =	sadd.s32 s4, s3  }
0x9: {  	s4 =	sadd.s32 s7, s31;
	s0 =	ssub.s32 s0, s9;
	s3 =	sshrl.u32 s3, $0x3  }
0xa: {  	s4 =	sshrl.u32 s4, $0x3;
	s23 =	smax.u32 s0, $0x1;
	s5 =	sadd.s32 s3, s1  }
0xb: {  	s3 =	sadd.s32 $0xD200, s1;
	s1 =	sadd.s32 s4, s1;
	s4 =	sadd.s32 $0x3400, s5  }
0xc: {  	s5 =	sadd.s32 s8, s6;
	s6 =	sadd.s32 s7, s6;
	s22 =	sadd.s32 $0xD800, s1  }
0xd: {  	s7 =	sadd.s32 $0x2800, s6;
	s8 =	sadd.s32 $0x5000, s6;
	s9 =	sadd.s32 $0x7800, s6  }
0xe: {  	s10 =	sadd.s32 $0xA000, s6;
	s11 =	sadd.s32 $0xC800, s6;
	s12 =	sadd.s32 $0xF000, s6  }
0xf: {  	s13 =	sadd.s32 $0x11800, s6;
	s14 =	sadd.s32 $0x14000, s6;
	s15 =	sadd.s32 $0x16800, s6  }
0x10: {  	s16 =	sadd.s32 $0x19000, s6;
	s17 =	sadd.s32 $0x1B800, s6;
	s18 =	sadd.s32 $0x1E000, s6  }
0x11: {  	v0 =	vimm.f32 $1.000000000e+00;
	s19 =	sadd.s32 $0x20800, s6;
	s20 =	sadd.s32 $0x23000, s6;
	s21 =	sadd.s32 $0x25800, s6  }
.LBB2_1:
0x12: {  	[tilespmem:s24], [sflag:$0x1] =	stream.linear.gather [hbm4b:s3+s2], $0x2800, $0x38;
	[tilespmem:$0xA200] =	vst v63  }
0x13: {  	_ =	swait.ge [sflag:s25], $0x2800  }
0x14: {  	[sflag:s25] =	ssyncset.done $0x0  }
0x15: {  	[sflag:s25] =	ssyncadd.s32 $0xFFFFD800  }
0x16: {  	[tilespmem:s2], [sflag:$0x1] =	stream.linear.gather [hbm4b:s4+s2], $0x2780, $0x38;
	[tilespmem:$0xA200] =	vst v63  }
0x17: {  	_ =	swait.ge [sflag:s25], $0x2780  }
0x18: {  	[sflag:s25] =	ssyncset.done $0x0  }
0x19: {  	s1 =	simm.s32 $0x0;
	s0 =	simm.s32 $0x40;
	[sflag:s25] =	ssyncadd.s32 $0xFFFFD880  }
.LBB2_2:
0x1a: {  	p0 =	sne.s32 s0, $0x9DC0;
	v1 =	vld [tilespmem:s1+$0x0];
	_ =	sdelay $0x3  }
.Ltmp0:
0x1b: {  	(pc) =	sbr.rel @p0 .LBB2_2-.Ltmp0, $2  }
0x1c: {  	_ =	sdelay $0x2  }
0x1d: {  	s1 =	sshra.s32 s0, $0x2;
	s0 =	sadd.s32 $0x40, s0;
	[tilespmem:v1+s24+$0x0] =	vst.idx.add.f32.msk $0xffff, v0  }
0x1e: {  	v1 =	vld [tilespmem:s1+$0x0];
	_ =	sdelay $0x7  }
0x1f: {  	[tilespmem:v1+s24+$0x0] =	vst.idx.add.f32.msk $0xffff, v0  }
0x20: {  	[spmem:s5] =	stream.linear.scatter [tilespmem:s24], [sflag:$0x1], $0x2800, $0x38;
	[tilespmem:$0xA200] =	vst v63  }
0x21: {  	_ =	swait.ge [sflag:s25], $0x2800  }
0x22: {  	[sflag:s25] =	ssyncset.done $0x0  }
0x23: {  	[sflag:s25] =	ssyncadd.s32 $0xFFFFD800  }
0x24: {  	s0 =	simm.s32 $0x4F80;
	[bflag:$0x0] =	sbarrier.arrive $0xFFFF  }
0x25: {  	[tilespmem:s0], [sflag:$0x1] =	stream.linear.gather [spmem:s6], $0x280, $0x38;
	[tilespmem:$0xA200] =	vst v63  }
0x26: {  	_ =	swait.ge [sflag:s25], $0x280  }
0x27: {  	[sflag:s25] =	ssyncset.done $0x0  }
0x28: {  	s1 =	simm.s32 $0x5200;
	[sflag:s25] =	ssyncadd.s32 $0xFFFFFD80  }
0x29: {  	[tilespmem:s1], [sflag:$0x1] =	stream.linear.gather [spmem:s7], $0x280, $0x38;
	[tilespmem:$0xA200] =	vst v63  }
0x2a: {  	_ =	swait.ge [sflag:s25], $0x280  }
0x2b: {  	[sflag:s25] =	ssyncset.done $0x0  }
0x2c: {  	s1 =	simm.s32 $0x5480;
	[sflag:s25] =	ssyncadd.s32 $0xFFFFFD80  }
0x2d: {  	[tilespmem:s1], [sflag:$0x1] =	stream.linear.gather [spmem:s8], $0x280, $0x38;
	[tilespmem:$0xA200] =	vst v63  }
0x2e: {  	_ =	swait.ge [sflag:s25], $0x280  }
0x2f: {  	[sflag:s25] =	ssyncset.done $0x0  }
0x30: {  	s1 =	simm.s32 $0x5700;
	[sflag:s25] =	ssyncadd.s32 $0xFFFFFD80  }
0x31: {  	[tilespmem:s1], [sflag:$0x1] =	stream.linear.gather [spmem:s9], $0x280, $0x38;
	[tilespmem:$0xA200] =	vst v63  }
0x32: {  	_ =	swait.ge [sflag:s25], $0x280  }
0x33: {  	[sflag:s25] =	ssyncset.done $0x0  }
0x34: {  	s1 =	simm.s32 $0x5980;
	[sflag:s25] =	ssyncadd.s32 $0xFFFFFD80  }
0x35: {  	[tilespmem:s1], [sflag:$0x1] =	stream.linear.gather [spmem:s10], $0x280, $0x38;
	[tilespmem:$0xA200] =	vst v63  }
0x36: {  	_ =	swait.ge [sflag:s25], $0x280  }
0x37: {  	[sflag:s25] =	ssyncset.done $0x0  }
0x38: {  	s1 =	simm.s32 $0x5C00;
	[sflag:s25] =	ssyncadd.s32 $0xFFFFFD80  }
0x39: {  	[tilespmem:s1], [sflag:$0x1] =	stream.linear.gather [spmem:s11], $0x280, $0x38;
	[tilespmem:$0xA200] =	vst v63  }
0x3a: {  	_ =	swait.ge [sflag:s25], $0x280  }
0x3b: {  	[sflag:s25] =	ssyncset.done $0x0  }
0x3c: {  	s1 =	simm.s32 $0x5E80;
	[sflag:s25] =	ssyncadd.s32 $0xFFFFFD80  }
0x3d: {  	[tilespmem:s1], [sflag:$0x1] =	stream.linear.gather [spmem:s12], $0x280, $0x38;
	[tilespmem:$0xA200] =	vst v63  }
0x3e: {  	_ =	swait.ge [sflag:s25], $0x280  }
0x3f: {  	[sflag:s25] =	ssyncset.done $0x0  }
0x40: {  	s1 =	simm.s32 $0x6100;
	[sflag:s25] =	ssyncadd.s32 $0xFFFFFD80  }
0x41: {  	[tilespmem:s1], [sflag:$0x1] =	stream.linear.gather [spmem:s13], $0x280, $0x38;
	[tilespmem:$0xA200] =	vst v63  }
0x42: {  	_ =	swait.ge [sflag:s25], $0x280  }
0x43: {  	[sflag:s25] =	ssyncset.done $0x0  }
0x44: {  	s1 =	simm.s32 $0x6380;
	[sflag:s25] =	ssyncadd.s32 $0xFFFFFD80  }
0x45: {  	[tilespmem:s1], [sflag:$0x1] =	stream.linear.gather [spmem:s14], $0x280, $0x38;
	[tilespmem:$0xA200] =	vst v63  }
0x46: {  	_ =	swait.ge [sflag:s25], $0x280  }
0x47: {  	[sflag:s25] =	ssyncset.done $0x0  }
0x48: {  	s1 =	simm.s32 $0x6600;
	[sflag:s25] =	ssyncadd.s32 $0xFFFFFD80  }
0x49: {  	[tilespmem:s1], [sflag:$0x1] =	stream.linear.gather [spmem:s15], $0x280, $0x38;
	[tilespmem:$0xA200] =	vst v63  }
0x4a: {  	_ =	swait.ge [sflag:s25], $0x280  }
0x4b: {  	[sflag:s25] =	ssyncset.done $0x0  }
0x4c: {  	s1 =	simm.s32 $0x6880;
	[sflag:s25] =	ssyncadd.s32 $0xFFFFFD80  }
0x4d: {  	[tilespmem:s1], [sflag:$0x1] =	stream.linear.gather [spmem:s16], $0x280, $0x38;
	[tilespmem:$0xA200] =	vst v63  }
0x4e: {  	_ =	swait.ge [sflag:s25], $0x280  }
0x4f: {  	[sflag:s25] =	ssyncset.done $0x0  }
0x50: {  	s1 =	simm.s32 $0x6B00;
	[sflag:s25] =	ssyncadd.s32 $0xFFFFFD80  }
0x51: {  	[tilespmem:s1], [sflag:$0x1] =	stream.linear.gather [spmem:s17], $0x280, $0x38;
	[tilespmem:$0xA200] =	vst v63  }
0x52: {  	_ =	swait.ge [sflag:s25], $0x280  }
0x53: {  	[sflag:s25] =	ssyncset.done $0x0  }
0x54: {  	s1 =	simm.s32 $0x6D80;
	[sflag:s25] =	ssyncadd.s32 $0xFFFFFD80  }
0x55: {  	[tilespmem:s1], [sflag:$0x1] =	stream.linear.gather [spmem:s18], $0x280, $0x38;
	[tilespmem:$0xA200] =	vst v63  }
0x56: {  	_ =	swait.ge [sflag:s25], $0x280  }
0x57: {  	[sflag:s25] =	ssyncset.done $0x0  }
0x58: {  	s1 =	simm.s32 $0x7000;
	[sflag:s25] =	ssyncadd.s32 $0xFFFFFD80  }
0x59: {  	[tilespmem:s1], [sflag:$0x1] =	stream.linear.gather [spmem:s19], $0x280, $0x38;
	[tilespmem:$0xA200] =	vst v63  }
0x5a: {  	_ =	swait.ge [sflag:s25], $0x280  }
0x5b: {  	[sflag:s25] =	ssyncset.done $0x0  }
0x5c: {  	s1 =	simm.s32 $0x7280;
	[sflag:s25] =	ssyncadd.s32 $0xFFFFFD80  }
0x5d: {  	[tilespmem:s1], [sflag:$0x1] =	stream.linear.gather [spmem:s20], $0x280, $0x38;
	[tilespmem:$0xA200] =	vst v63  }
0x5e: {  	_ =	swait.ge [sflag:s25], $0x280  }
0x5f: {  	[sflag:s25] =	ssyncset.done $0x0  }
0x60: {  	[sflag:s25] =	ssyncadd.s32 $0xFFFFFD80  }
0x61: {  	[tilespmem:s26], [sflag:$0x1] =	stream.linear.gather [spmem:s21], $0x280, $0x38;
	[tilespmem:$0xA200] =	vst v63  }
0x62: {  	_ =	swait.ge [sflag:s25], $0x280  }
0x63: {  	s1 =	simm.s32 $0x0;
	[sflag:s25] =	ssyncset.done $0x0  }
0x64: {  	s1 =	sand.u32 $0x3F0, s1;
	[sflag:s25] =	ssyncadd.s32 $0xFFFFFD80  }
0x65: {  	v1 =	vld [tilespmem:s1+$0x5200]  }
0x66: {  	v2 =	vld [tilespmem:s0+$0x0];
	_ =	sdelay $0x1  }
0x67: {  	v3 =	vld [tilespmem:s1+$0x5480];
	_ =	sdelay $0x1  }
0x68: {  	v4 =	vld [tilespmem:s1+$0x5700]  }
0x69: {  	v1 =	vadd.f32 v1, v2  }
0x6a: {  	v2 =	vld [tilespmem:s1+$0x5980]  }
0x6b: {  	v1 =	vadd.f32 v3, v1  }
0x6c: {  	v3 =	vld [tilespmem:s1+$0x5C00]  }
0x6d: {  	v1 =	vadd.f32 v4, v1  }
0x6e: {  	v60 =	vld [tilespmem:s1+$0x5E80]  }
0x6f: {  	v1 =	vadd.f32 v2, v1  }
0x70: {  	v2 =	vld [tilespmem:s1+$0x6100]  }
0x71: {  	v1 =	vadd.f32 v3, v1  }
0x72: {  	v3 =	vld [tilespmem:s1+$0x6380]  }
0x73: {  	v1 =	vadd.f32 v60, v1  }
0x74: {  	v61 =	vld [tilespmem:s1+$0x6600]  }
0x75: {  	v1 =	vadd.f32 v2, v1  }
0x76: {  	v2 =	vld [tilespmem:s1+$0x6880]  }
0x77: {  	v1 =	vadd.f32 v3, v1  }
0x78: {  	v3 =	vld [tilespmem:s1+$0x6B00]  }
0x79: {  	v1 =	vadd.f32 v61, v1  }
0x7a: {  	v62 =	vld [tilespmem:s1+$0x6D80]  }
0x7b: {  	v1 =	vadd.f32 v2, v1  }
0x7c: {  	v2 =	vld [tilespmem:s1+$0x7000]  }
0x7d: {  	v1 =	vadd.f32 v3, v1  }
0x7e: {  	v3 =	vld [tilespmem:s1+$0x7280]  }
0x7f: {  	v1 =	vadd.f32 v62, v1  }
0x80: {  	v63 =	vld [tilespmem:s1+$0x7500]  }
0x81: {  	v1 =	vadd.f32 v2, v1;
	_ =	sdelay $0x1  }
0x82: {  	v1 =	vadd.f32 v3, v1;
	_ =	sdelay $0x1  }
0x83: {  	v1 =	vadd.f32 v63, v1  }
0x84: {  	s30 =	simm.s32 $0x7780;
	s1 =	simm.s32 $0x10  }
0x85: {  	s31 =	sand.u32 $0x3F0, s1;
	[tilespmem:s30+$0x0] =	vst v1  }
0x86: {  	s0 =	simm.s32 $0x20;
	s1 =	simm.s32 $0x4F90;
	v1 =	vld [tilespmem:s31+$0x5200]  }
.LBB2_4:
0x87: {  	p0 =	sne.s32 s0, $0x270;
	v2 =	vld [tilespmem:s1+$0x0];
	_ =	sdelay $0x1  }
0x88: {  	v3 =	vld [tilespmem:s31+$0x5480];
	_ =	sdelay $0x1  }
0x89: {  	v4 =	vld [tilespmem:s31+$0x5700]  }
0x8a: {  	v1 =	vadd.f32 v1, v2  }
0x8b: {  	v2 =	vld [tilespmem:s31+$0x5980]  }
0x8c: {  	v1 =	vadd.f32 v3, v1  }
0x8d: {  	v3 =	vld [tilespmem:s31+$0x5C00]  }
0x8e: {  	v1 =	vadd.f32 v4, v1  }
0x8f: {  	v4 =	vld [tilespmem:s31+$0x5E80]  }
0x90: {  	v1 =	vadd.f32 v2, v1  }
0x91: {  	v2 =	vld [tilespmem:s31+$0x6100]  }
0x92: {  	v1 =	vadd.f32 v3, v1  }
0x93: {  	v3 =	vld [tilespmem:s31+$0x6380]  }
0x94: {  	v1 =	vadd.f32 v4, v1  }
0x95: {  	v4 =	vld [tilespmem:s31+$0x6600]  }
0x96: {  	v1 =	vadd.f32 v2, v1  }
0x97: {  	v2 =	vld [tilespmem:s31+$0x6880]  }
0x98: {  	v1 =	vadd.f32 v3, v1  }
0x99: {  	v3 =	vld [tilespmem:s31+$0x6B00]  }
0x9a: {  	v1 =	vadd.f32 v4, v1  }
0x9b: {  	v4 =	vld [tilespmem:s31+$0x6D80]  }
0x9c: {  	v1 =	vadd.f32 v2, v1  }
0x9d: {  	v2 =	vld [tilespmem:s31+$0x7000]  }
0x9e: {  	v1 =	vadd.f32 v3, v1  }
0x9f: {  	v3 =	vld [tilespmem:s31+$0x7280]  }
0xa0: {  	v1 =	vadd.f32 v4, v1  }
0xa1: {  	v4 =	vld [tilespmem:s31+$0x7500]  }
0xa2: {  	v1 =	vadd.f32 v2, v1;
	_ =	sdelay $0x1  }
0xa3: {  	v1 =	vadd.f32 v3, v1  }
.Ltmp1:
0xa4: {  	(pc) =	sbr.rel @p0 .LBB2_4-.Ltmp1, $4  }
0xa5: {  	v1 =	vadd.f32 v4, v1  }
0xa6: {  	s30 =	sadd.s32 $0x10, s30  }
0xa7: {  	s31 =	sand.u32 $0x3F0, s0;
	[tilespmem:s30+$0x0] =	vst v1  }
0xa8: {  	s1 =	sadd.s32 $0x10, s1;
	s0 =	sadd.s32 $0x10, s0;
	v1 =	vld [tilespmem:s31+$0x5200]  }
0xa9: {  	v2 =	vld [tilespmem:s1+$0x0];
	_ =	sdelay $0x1  }
0xaa: {  	v3 =	vld [tilespmem:s31+$0x5480];
	_ =	sdelay $0x1  }
0xab: {  	v4 =	vld [tilespmem:s31+$0x5700]  }
0xac: {  	v1 =	vadd.f32 v1, v2  }
0xad: {  	v2 =	vld [tilespmem:s31+$0x5980]  }
0xae: {  	v1 =	vadd.f32 v3, v1  }
0xaf: {  	v3 =	vld [tilespmem:s31+$0x5C00]  }
0xb0: {  	v1 =	vadd.f32 v4, v1  }
0xb1: {  	v60 =	vld [tilespmem:s31+$0x5E80]  }
0xb2: {  	v1 =	vadd.f32 v2, v1  }
0xb3: {  	v2 =	vld [tilespmem:s31+$0x6100]  }
0xb4: {  	v1 =	vadd.f32 v3, v1  }
0xb5: {  	v3 =	vld [tilespmem:s31+$0x6380]  }
0xb6: {  	v1 =	vadd.f32 v60, v1  }
0xb7: {  	v61 =	vld [tilespmem:s31+$0x6600]  }
0xb8: {  	v1 =	vadd.f32 v2, v1  }
0xb9: {  	v2 =	vld [tilespmem:s31+$0x6880]  }
0xba: {  	v1 =	vadd.f32 v3, v1  }
0xbb: {  	v3 =	vld [tilespmem:s31+$0x6B00]  }
0xbc: {  	v1 =	vadd.f32 v61, v1  }
0xbd: {  	v62 =	vld [tilespmem:s31+$0x6D80]  }
0xbe: {  	v1 =	vadd.f32 v2, v1  }
0xbf: {  	v2 =	vld [tilespmem:s31+$0x7000]  }
0xc0: {  	v1 =	vadd.f32 v3, v1  }
0xc1: {  	v3 =	vld [tilespmem:s31+$0x7280]  }
0xc2: {  	v1 =	vadd.f32 v62, v1  }
0xc3: {  	v63 =	vld [tilespmem:s31+$0x7500]  }
0xc4: {  	v1 =	vadd.f32 v2, v1;
	_ =	sdelay $0x1  }
0xc5: {  	v1 =	vadd.f32 v3, v1;
	_ =	sdelay $0x1  }
0xc6: {  	s29 =	sadd.s32 $0x1, s29;
	v1 =	vadd.f32 v63, v1  }
0xc7: {  	s0 =	sadd.s32 $0x10, s30;
	p0 =	sne.s32 s29, s23  }
.Ltmp2:
0xc8: {  	[tilespmem:s0+$0x0] =	vst v1;
	(pc) =	sbr.rel @p0 .LBB2_1-.Ltmp2, $4  }
0xc9: {  	[hbm4b:s22+s2] =	stream.linear.scatter [tilespmem:s28], [sflag:$0x1], $0x280, $0x38;
	[tilespmem:$0xA200] =	vst v63  }
0xca: {  	_ =	swait.ge [sflag:s25], $0x280  }
0xcb: {  	[sflag:s25] =	ssyncset.done $0x0  }
0xcc: {  	[sflag:s25] =	ssyncadd.s32 $0xFFFFFD80  }
0xcd: {  	_ =	sfence.sel $0x180000  }
0xce: {  	[bflag:$0x0] =	sbarrier.arrive $0xFFFF  }
0xcf: {  	_ =	strace $0x90000047  }
0xd0: {  	s0 =	stileid.u32;
	[bflag:$0x2] =	sbarrier.arrive $0xFFFF  }
0xd1: {  	p0 =	sne.s32 s0, $0x0;
	s0 =	rddreg [dreg:$0x2]  }
0xd2: {  	s0 =	sadd.s32 @!p0 $0x100000, s0  }
0xd3: {  	[sflag:s0] =	ssyncadd.tile.s32 @!p0 $0x1;
	_ =	shalt  }
.Lfunc_end2:
_tile_overlayer_lowered:
.L_overlay_start_2:
0xd4: {  	(tag) =	ssettag $0x2  }
0xd5: {  	s0 =	rddreg [dreg:$0x0];
	s2 =	stileid.u32  }
0xd6: {  	s1 =	rddreg [dreg:$0x1];
	p0 =	sne.s32 s2, $0x0  }
0xd7: {  	s3 =	rddreg [dreg:$0x2];
	[bflag:$0x3] =	sbarrier.arrive $0xFFFF;
	s2 =	simm.s32 @!p0 $0x1C01  }
0xd8: {  	[timem:s3], [sflag:s2] =	dma.local @!p0 [hbm:s0], s1  }
0xd9: {  	s0 =	simm.s32 @!p0 $0x1  }
0xda: {  	_ =	swait.ge @!p0 [sflag:s0], s1  }
0xdb: {  	s1 =	ssub.s32 @!p0 $0x0, s1;
	[sflag:s0] =	ssyncset.done @!p0 $0x0  }
0xdc: {  	[sflag:s0] =	ssyncadd.s32 @!p0 s1  }
0xdd: {  	[bflag:$0x3] =	sbarrier.arrive $0xFFFF  }
0xde: {  	_ =	shalt  }

// kernel: kernel.13.cloned.1.call-start
scs
__scs_entry_jumppad:
0x0: {  	(pc) =	sbr.rel $0x88, $3  }
0x1: {  	(tag) =	ssettag $0x0;
	lr =	simm.s32 $0x1  }
0x2: {  	[smem:$0x3F94] =	sst lr;
	_ =	strace $0xD0000000  }
0x3: {  	_ = 	snop  }
0x4: {  	_ = 	snop  }
0x5: {  	_ = 	snop  }
0x6: {  	_ = 	snop  }
0x7: {  	_ = 	snop  }
__scs_overlays_trampoline_lowered:
0x8: {  	[smem:$0x3FA3] =	sst s0  }
0x9: {  	[smem:$0x3FA4] =	sst s1  }
0xa: {  	[smem:$0x3FA5] =	sst s2  }
0xb: {  	[smem:$0x3FA6] =	sst s3  }
0xc: {  	[smem:$0x3FA7] =	sst s4  }
0xd: {  	[smem:$0x3FA8] =	sst s5  }
0xe: {  	[smem:$0x3FA9] =	sst s6  }
0xf: {  	[smem:$0x3FAA] =	sst s7  }
0x10: {  	[smem:$0x3FAB] =	sst s8  }
0x11: {  	[smem:$0x3FAC] =	sst s9;
	s0 =	simm.s32 @!p0 $0x0  }
0x12: {  	s1 =	sld [smem:$0x3F92];
	s0 =	simm.s32 @p0 $0x1  }
0x13: {  	[smem:$0x3FAD] =	sst s0;
	s0 =	simm.s32 @!p1 $0x0  }
0x14: {  	s2 =	sld [smem:$0x3F91];
	s0 =	simm.s32 @p1 $0x1  }
0x15: {  	[smem:$0x3FAE] =	sst s0;
	s0 =	simm.s32 @!p2 $0x0  }
0x16: {  	s3 =	sld [smem:$0x3FDB];
	s0 =	simm.s32 @p2 $0x1  }
0x17: {  	s4 =	simm.s32 $0x1BF5;
	[smem:$0x3FB0] =	sst s0  }
0x18: {  	s0 =	sld [smem:$0x3F93];
	_ =	swait.ge [sflag:s4], $0x0  }
0x19: {  	s7 =	sld [smem:$0x3F94]  }
0x1a: {  	s8 =	sadd.s32 $0xFFFFE003, lr  }
0x1b: {  	s9 =	sadd.s32 $0xFFFFFEF7, lr;
	s5 =	simm.s32 $0xFFFFFFFF;
	p2 =	slt.u32 s8, $0xFFFFF086  }
0x1c: {  	p1 =	slt.u32 s9, $0xF7A;
	s5 =	simm.s32 @!p2 $0x0  }
0x1d: {  	s5 =	simm.s32 @p1 $0x1;
	p0 =	seq.s32 s7, s2  }
0x1e: {  	s7 =	smul.u32 @!p0 $0xF7A, s2;
	p2 =	seq.s32 @!p0 s5, $0x0  }
0x1f: {  	s9 =	smul.u32 $0xF7A, s1;
	s8 =	simm.s32 @!p0 $0x1BF5;
	p2 =	por !p2, p0  }
0x20: {  	[sflag:s8] =	ssyncset.s32 @!p0 $0xFFFFF086;
	s6 =	sadd.s32 @!p0 s3, s7;
	s7 =	simm.s32 @!p0 $0x108  }
0x21: {  	s3 =	sadd.s32 s3, s9;
	s6 =	sadd.s32 @!p0 $0x88, s6;
	s7 =	simm.s32 @p2 $0x1082  }
0x22: {  	[simem:s7], [sflag:s8] =	dma.local @!p0 [hbm:s6], $0xF7A  }
0x23: {  	s9 =	sor.u32 $0xD0000000, s2;
	s6 =	simm.s32 $0x108;
	_ =	swait.ge @!p0 [sflag:s8], $0x0  }
0x24: {  	s3 =	sadd.s32 $0x88, s3;
	s6 =	simm.s32 @!p1 $0x1082;
	[sflag:s4] =	ssyncset.s32 $0xFFFFF086  }
0x25: {  	[simem:s6], [sflag:s4] =	dma.local [hbm:s3], $0xF7A  }
0x26: {  	[smem:$0x3F94] =	sst s1;
	(tag) =	ssettag s2;
	_ =	strace s9  }
0x27: {  	s1 =	sld [smem:$0x3FA4]  }
0x28: {  	s2 =	sld [smem:$0x3FA5]  }
0x29: {  	s4 =	sld [smem:$0x3FA7]  }
0x2a: {  	p0 =	seq.s32 s5, $0x0;
	s5 =	sld [smem:$0x3FA8]  }
0x2b: {  	s6 =	sld [smem:$0x3FA9]  }
0x2c: {  	s7 =	sld [smem:$0x3FAA]  }
0x2d: {  	s3 =	simm.s32 $0x108;
	s8 =	sld [smem:$0x3FAB]  }
0x2e: {  	s3 =	simm.s32 @!p0 $0x1082;
	s9 =	sld [smem:$0x3FAC]  }
0x2f: {  	lr =	sadd.s32 s0, s3;
	s0 =	sld [smem:$0x3FA3]  }
0x30: {  	s3 =	sld [smem:$0x3FA6]  }
0x31: {  	[smem:$0x3FAF] =	sst s10  }
0x32: {  	s10 =	sld [smem:$0x3FAD];
	_ =	sdelay $0x3  }
0x33: {  	p0 =	seq.s32 s10, $0x1;
	s10 =	sld [smem:$0x3FAF];
	_ =	sdelay $0x3  }
0x34: {  	[smem:$0x3FAF] =	sst s10  }
0x35: {  	s10 =	sld [smem:$0x3FAE];
	_ =	sdelay $0x3  }
0x36: {  	p1 =	seq.s32 s10, $0x1;
	s10 =	sld [smem:$0x3FAF];
	_ =	sdelay $0x3  }
0x37: {  	[smem:$0x3FAF] =	sst s10  }
0x38: {  	s10 =	sld [smem:$0x3FB0]  }
0x39: {  	_ = 	snop;
	(pc) =	sbr.ind lr, $3  }
0x3a: {  	_ = 	snop  }
0x3b: {  	_ = 	snop  }
0x3c: {  	p2 =	seq.s32 s10, $0x1;
	s10 =	sld [smem:$0x3FAF]  }
0x3d: {  	_ =	shalt  }
0x3e: {  	_ =	shalt  }
0x3f: {  	_ =	shalt  }
0x40: {  	_ =	shalt  }
0x41: {  	_ =	shalt  }
0x42: {  	_ =	shalt  }
0x43: {  	_ =	shalt  }
0x44: {  	_ =	shalt  }
0x45: {  	_ =	shalt  }
0x46: {  	_ =	shalt  }
0x47: {  	_ =	shalt  }
0x48: {  	_ =	shalt  }
0x49: {  	_ =	shalt  }
0x4a: {  	_ =	shalt  }
0x4b: {  	_ =	shalt  }
0x4c: {  	_ =	shalt  }
0x4d: {  	_ =	shalt  }
0x4e: {  	_ =	shalt  }
0x4f: {  	_ =	shalt  }
0x50: {  	_ =	shalt  }
0x51: {  	_ =	shalt  }
0x52: {  	_ =	shalt  }
0x53: {  	_ =	shalt  }
0x54: {  	_ =	shalt  }
0x55: {  	_ =	shalt  }
0x56: {  	_ =	shalt  }
0x57: {  	_ =	shalt  }
0x58: {  	_ =	shalt  }
0x59: {  	_ =	shalt  }
0x5a: {  	_ =	shalt  }
0x5b: {  	_ =	shalt  }
0x5c: {  	_ =	shalt  }
0x5d: {  	_ =	shalt  }
0x5e: {  	_ =	shalt  }
0x5f: {  	_ =	shalt  }
0x60: {  	_ =	shalt  }
0x61: {  	_ =	shalt  }
0x62: {  	_ =	shalt  }
0x63: {  	_ =	shalt  }
0x64: {  	_ =	shalt  }
0x65: {  	_ =	shalt  }
0x66: {  	_ =	shalt  }
0x67: {  	_ =	shalt  }
0x68: {  	_ =	shalt  }
0x69: {  	_ =	shalt  }
0x6a: {  	_ =	shalt  }
0x6b: {  	_ =	shalt  }
0x6c: {  	_ =	shalt  }
0x6d: {  	_ =	shalt  }
0x6e: {  	_ =	shalt  }
0x6f: {  	_ =	shalt  }
0x70: {  	_ =	shalt  }
0x71: {  	_ =	shalt  }
0x72: {  	_ =	shalt  }
0x73: {  	_ =	shalt  }
0x74: {  	_ =	shalt  }
0x75: {  	_ =	shalt  }
0x76: {  	_ =	shalt  }
0x77: {  	_ =	shalt  }
0x78: {  	_ =	shalt  }
0x79: {  	_ =	shalt  }
0x7a: {  	_ =	shalt  }
0x7b: {  	_ =	shalt  }
0x7c: {  	_ =	shalt  }
0x7d: {  	_ =	shalt  }
0x7e: {  	_ =	shalt  }
0x7f: {  	_ =	shalt  }
0x80: {  	_ =	shalt  }
0x81: {  	_ =	shalt  }
0x82: {  	_ =	shalt  }
0x83: {  	_ =	shalt  }
0x84: {  	_ =	shalt  }
0x85: {  	_ =	shalt  }
0x86: {  	_ =	shalt  }
0x87: {  	_ =	shalt  }
.Lfunc_end0:
.L_simem_size_0:
called_computation.1_lowered:
.L_overlay_start_0:
0x88: {  	s2 =	sld [smem:$0x3FD9]  }
0x89: {  	s3 =	sld [smem:$0x3FFE];
	_ =	sdelay $0x1  }
0x8a: {  	s1 =	srdreg.scid  }
0x8b: {  	s0 =	sand.u32 $0x1, s1  }
0x8c: {  	s16 =	sshll.u32 s0, $0xA;
	s2 =	sadd.s32 s3, s2  }
0x8d: {  	s2 =	sadd.s32 s2, s16  }
0x8e: {  	[smem:$0x3FBB] =	sst s2  }
0x8f: {  	_ = 	snop  }
0x90: {  	(tm) =	ssettm $0x1  }
0x91: {  	s17 =	sld [smem:$0x3FFB];
	_ =	sdelay $0x3  }
0x92: {  	_ =	strace s17  }
0x93: {  	s2 =	sld [smem:$0x3FFC];
	_ =	sdelay $0x3  }
0x94: {  	_ =	strace s2  }
0x95: {  	s2 =	sld [smem:$0x3FFD];
	_ =	sdelay $0x3  }
0x96: {  	_ =	strace s2  }
0x97: {  	_ =	strace $0x8FFFFFFF  }
0x98: {  	s18 =	sld [smem:$0x3FDB];
	_ =	sdelay $0x1  }
0x99: {  	s19 =	simm.s32 $_scs_section_size  }
0x9a: {  	s4 =	simm.s32 $_size__tile_overlayer_lowered;
	s5 =	simm.s32 $_tile_overlayer_lowered  }
0x9b: {  	s22 =	simm.s32 $0x1BFF;
	s21 =	sshll.u32 s5, $0x1;
	s2 =	sadd.s32 s19, s18  }
0x9c: {  	s6 =	simm.s32 $0x0;
	s20 =	sshll.u32 s4, $0x1;
	s4 =	sadd.s32 s21, s2  }
0x9d: {  	[timem:s6], [sflag:s22] =	dma.local [hbm:s4], s20  }
0x9e: {  	_ =	swait.ge [sflag:s22], s20  }
0x9f: {  	s3 =	ssub.s32 $0x0, s20;
	[sflag:s22] =	ssyncset.done $0x0  }
0xa0: {  	[sflag:s22] =	ssyncadd.s32 s3;
	_ =	sdelay $0x1  }
0xa1: {  	s23 =	simm.s32 $0x1B8B  }
0xa2: {  	_ =	swait.ge [sflag:s23], $0x1  }
0xa3: {  	[sflag:s23] =	ssyncset.done $0x0  }
0xa4: {  	s25 =	simm.s32 $0x1B8E;
	s24 =	sld [smem:$0x3FFE];
	[sflag:s23] =	ssyncadd.s32 $0xFFFFFFFF  }
0xa5: {  	s26 =	simm.s32 $execute0_lowered;
	[smem:$0x3FD2] =	sst s25  }
0xa6: {  	s4 =	sshll.u32 s26, $0x1;
	_ =	strace $0x80000049;
	[dreg:$0x1] =	wrdreg $0xFFFFFFFF  }
0xa7: {  	s28 =	simm.s32 $_size_execute0_lowered;
	s2 =	sadd.s32 s2, s4;
	[dreg:$0x0] =	wrdreg $0x0  }
0xa8: {  	s4 =	sshll.u32 s28, $0x1;
	[dreg:$0x2] =	wrdreg s2  }
0xa9: {  	[dreg:$0x3] =	wrdreg s4  }
0xaa: {  	[dreg:$0x4] =	wrdreg $0xC0  }
0xab: {  	_ =	task [dreg:s6], $0x5FFFF  }
0xac: {  	[dreg:$0x1] =	wrdreg $0xFFFFFFFF  }
0xad: {  	[dreg:$0x0] =	wrdreg $0x60  }
0xae: {  	[dreg:$0x2] =	wrdreg s24  }
0xaf: {  	[dreg:$0x3] =	wrdreg $0x41000  }
0xb0: {  	[dreg:$0x4] =	wrdreg $0x9  }
0xb1: {  	_ =	task.clear_ibuf [dreg:s6], $0x5FFFF;
	_ =	strace $0x90000049  }
0xb2: {  	s29 =	simm.s32 $0x9;
	_ =	strace $0x8000004B  }
0xb3: {  	_ =	swait.ge [sflag:s29], $0x1  }
0xb4: {  	[sflag:s29] =	ssyncadd.s32 $0xFFFFFFFF  }
0xb5: {  	_ =	strace $0x9000004B  }
0xb6: {  	_ =	sfence  }
0xb7: {  	s30 =	sld [smem:$0x0];
	_ =	sdelay $0x2  }
0xb8: {  	s31 =	sshll.u32 s1, $0xD;
	s1 =	sshrl.u32 s1, $0x2  }
0xb9: {  	s3 =	sand.u32 $0x4000, s31;
	s1 =	sadd.s32 s1, s30  }
0xba: {  	s0 =	sor.u32 s3, s0;
	s1 =	sshll.u32 s1, $0x11  }
0xbb: {  	s0 =	sor.u32 s1, s0  }
0xbc: {  	s0 =	sadd.s32 $0x8F2B, s0  }
0xbd: {  	[sflag:s0] =	ssyncadd.remote.s32 $0x1  }
0xbe: {  	_ =	sfence.sel $0xFFFF  }
0xbf: {  	[dreg:$0x0] =	wrdreg $0xFFFFFFFF;
	(pc) =	sbr.abs _section_cstart, $3  }
0xc0: {  	[dreg:$0x1] =	wrdreg $0xFFFFFFFF  }
0xc1: {  	_ =	task.clear_ibuf [dreg:s6], $0x2FFFF;
	_ =	strace $0x9FFFFFFF  }
0xc2: {  	(tm) =	ssettm $0x7FFFFFFF  }
0xc3: {  	_ =	shalt  }
tec
execute0_lowered:
.L_overlay_start_1:
0x0: {  	(tag) =	ssettag $0x1  }
0x1: {  	s5 =	rddreg [dreg:$0x0]  }
0x2: {  	s0 =	srdreg.scid;
	s2 =	rddreg [dreg:$0x1]  }
0x3: {  	s1 =	rddreg [dreg:$0x2];
	s6 =	sand.u32 $0x1, s0  }
0x4: {  	s3 =	simm.s32 $0x0;
	s0 =	stileid.u32;
	s4 =	smul.u32 $0x27800, s6  }
0x5: {  	s13 =	simm.s32 $0x80;
	s14 =	simm.s32 $0x100;
	s7 =	smul.u32 $0x2780, s0  }
0x6: {  	s15 =	simm.s32 $0x1;
	[smem:$0x7FF] =	sst s3;
	s26 =	smul.u32 $0x13C00, s0  }
0x7: {  	s16 =	simm.s32 $0x0;
	s9 =	smul.u32 $0x13C000, s6;
	_ =	strace $0x8000004A  }
0x8: {  	s29 =	smul.u32 $0x4F000, s0;
	s6 =	ssub.s32 $0x2, s6;
	s31 =	sshll.u32 s0, $0x6  }
0x9: {  	s30 =	sshrl.u32 s6, $0x1;
	s4 =	sadd.s32 s7, s4;
	s28 =	sshrl.u32 s26, $0x3  }
0xa: {  	s7 =	sadd.s32 s26, s9;
	s9 =	sshrl.u32 s29, $0x2;
	s11 =	ssub.s32 s6, s30  }
0xb: {  	s6 =	sor.u32 $0x1C02, s31;
	s8 =	sshrl.u32 s4, $0x3;
	s4 =	sadd.s32 $0x18000, s5  }
0xc: {  	s7 =	sshrl.u32 s7, $0x3;
	s10 =	sadd.s32 s8, s5;
	s8 =	sadd.s32 s28, s5  }
0xd: {  	s12 =	sadd.s32 s9, s2;
	s7 =	sadd.s32 s7, s5;
	s5 =	sadd.s32 $0x3F200, s8  }
0xe: {  	s7 =	sadd.s32 $0x66A00, s7;
	s8 =	smax.u32 s11, $0x1;
	s9 =	sadd.s32 $0x3400, s10  }
0xf: {  	s10 =	sadd.s32 $0xE200, s10;
	s11 =	sshrl.u32 s12, $0x3;
	s12 =	simm.s32 $0x2  }
.LBB2_1:
0x10: {  	[spmem:s11], [sflag:s6] =	dma.local [hbm:s5], $0x2780  }
0x11: {  	_ =	swait.ge [sflag:s12], $0x2780  }
0x12: {  	[sflag:s12] =	ssyncset.done $0x0  }
0x13: {  	[sflag:s12] =	ssyncadd.s32 $0xFFFFD880  }
0x14: {  	s17 =	sadd.s32 $0x0, s10;
	[bflag:$0x0] =	sbarrier.arrive $0xFFFF  }
0x15: {  	[tilespmem:s3], [sflag:$0x2] =	stream.linear.gather [hbm4b:s17+s3], $0x80, $0x38;
	[tilespmem:$0x17D00] =	vst v63  }
0x16: {  	_ =	swait.ge [sflag:s12], $0x80  }
0x17: {  	[sflag:s12] =	ssyncset.done $0x0  }
0x18: {  	s31 =	sadd.s32 $0x0, s9;
	[sflag:s12] =	ssyncadd.s32 $0xFFFFFF80  }
0x19: {  	[tilespmem:s13], [sflag:$0x2] =	stream.linear.gather [hbm4b:s31+s3], $0x80, $0x38;
	[tilespmem:$0x17D00] =	vst v63  }
0x1a: {  	_ =	swait.ge [sflag:s12], $0x80  }
0x1b: {  	[sflag:s12] =	ssyncset.done $0x0  }
0x1c: {  	[sflag:s12] =	ssyncadd.s32 $0xFFFFFF80  }
0x1d: {  	[tilespmem:s14], [sflag:$0x1] =	stream.indirect.gather [hbm4b:s4+s13], $0x80, s3, s13, $0xb8;
	[tilespmem:$0x17D00] =	vst v63  }
0x1e: {  	_ =	swait.ge [sflag:s15], $0x4000  }
0x1f: {  	[sflag:s15] =	ssyncset.done $0x0  }
0x20: {  	[sflag:s15] =	ssyncadd.s32 $0xFFFFC000  }
0x21: {  	[spmem:s2] =	stream.indirect.scatter.add.f32 [tilespmem:s14], [sflag:$0x2], $0x80, s13, s13, $0xb8;
	[tilespmem:$0x17D00] =	vst v63  }
0x22: {  	_ =	swait.ge [sflag:s12], $0x4000  }
0x23: {  	s18 =	simm.s32 $0x20;
	s17 =	simm.s32 $0x10;
	[sflag:s12] =	ssyncset.done $0x0  }
.LBB2_2:
0x24: {  	s19 =	sadd.s32 s17, s10  }
0x25: {  	[sflag:s12] =	ssyncadd.s32 $0xFFFFC000;
	s20 =	smov.u32 s18;
	s21 =	sadd.s32 $0x10, s18  }
0x26: {  	[tilespmem:s3], [sflag:$0x2] =	stream.linear.gather [hbm4b:s19+s3], $0x80, $0x38;
	[tilespmem:$0x17D00] =	vst v63  }
0x27: {  	p0 =	sne.s32 s18, $0x4E0;
	_ =	swait.ge [sflag:s12], $0x80  }
0x28: {  	[sflag:s12] =	ssyncset.done $0x0  }
0x29: {  	s18 =	sadd.s32 s17, s9;
	s17 =	smov.u32 s20;
	[sflag:s12] =	ssyncadd.s32 $0xFFFFFF80  }
0x2a: {  	[tilespmem:s13], [sflag:$0x2] =	stream.linear.gather [hbm4b:s18+s3], $0x80, $0x38;
	[tilespmem:$0x17D00] =	vst v63  }
0x2b: {  	_ =	swait.ge [sflag:s12], $0x80  }
0x2c: {  	[sflag:s12] =	ssyncset.done $0x0  }
0x2d: {  	[sflag:s12] =	ssyncadd.s32 $0xFFFFFF80  }
0x2e: {  	[tilespmem:s14], [sflag:$0x1] =	stream.indirect.gather [hbm4b:s4+s13], $0x80, s3, s13, $0xb8;
	[tilespmem:$0x17D00] =	vst v63  }
0x2f: {  	_ =	swait.ge [sflag:s15], $0x4000  }
.Ltmp0:
0x30: {  	[sflag:s15] =	ssyncset.done $0x0;
	(pc) =	sbr.rel @p0 .LBB2_2-.Ltmp0, $4  }
0x31: {  	[sflag:s15] =	ssyncadd.s32 $0xFFFFC000  }
0x32: {  	[spmem:s2] =	stream.indirect.scatter.add.f32 [tilespmem:s14], [sflag:$0x2], $0x80, s13, s13, $0xb8;
	[tilespmem:$0x17D00] =	vst v63  }
0x33: {  	_ =	swait.ge [sflag:s12], $0x4000  }
0x34: {  	s18 =	smov.u32 s21;
	[sflag:s12] =	ssyncset.done $0x0  }
0x35: {  	s18 =	sadd.s32 s17, s10;
	[sflag:s12] =	ssyncadd.s32 $0xFFFFC000  }
0x36: {  	[tilespmem:s3], [sflag:$0x2] =	stream.linear.gather [hbm4b:s18+s3], $0x80, $0x38;
	[tilespmem:$0x17D00] =	vst v63  }
0x37: {  	_ =	swait.ge [sflag:s12], $0x80  }
0x38: {  	[sflag:s12] =	ssyncset.done $0x0  }
0x39: {  	s31 =	sadd.s32 s17, s9;
	[sflag:s12] =	ssyncadd.s32 $0xFFFFFF80  }
0x3a: {  	[tilespmem:s13], [sflag:$0x2] =	stream.linear.gather [hbm4b:s31+s3], $0x80, $0x38;
	[tilespmem:$0x17D00] =	vst v63  }
0x3b: {  	_ =	swait.ge [sflag:s12], $0x80  }
0x3c: {  	[sflag:s12] =	ssyncset.done $0x0  }
0x3d: {  	[sflag:s12] =	ssyncadd.s32 $0xFFFFFF80  }
0x3e: {  	[tilespmem:s14], [sflag:$0x1] =	stream.indirect.gather [hbm4b:s4+s13], $0x80, s3, s13, $0xb8;
	[tilespmem:$0x17D00] =	vst v63  }
0x3f: {  	_ =	swait.ge [sflag:s15], $0x4000  }
0x40: {  	[sflag:s15] =	ssyncset.done $0x0  }
0x41: {  	[sflag:s15] =	ssyncadd.s32 $0xFFFFC000  }
0x42: {  	[spmem:s2] =	stream.indirect.scatter.add.f32 [tilespmem:s14], [sflag:$0x2], $0x80, s13, s13, $0xb8;
	[tilespmem:$0x17D00] =	vst v63  }
0x43: {  	_ =	swait.ge [sflag:s12], $0x4000  }
0x44: {  	s16 =	sadd.s32 $0x1, s16;
	[sflag:s12] =	ssyncset.done $0x0  }
0x45: {  	p0 =	sne.s32 s16, s8;
	[sflag:s12] =	ssyncadd.s32 $0xFFFFC000  }
.Ltmp1:
0x46: {  	[bflag:$0x0] =	sbarrier.arrive $0xFFFF;
	(pc) =	sbr.rel @p0 .LBB2_1-.Ltmp1, $4  }
0x47: {  	[hbm:s7], [sflag:s6] =	dma.local [spmem:s11], $0x2780  }
0x48: {  	_ =	swait.ge [sflag:s12], $0x2780  }
0x49: {  	[sflag:s12] =	ssyncset.done $0x0  }
0x4a: {  	[sflag:s12] =	ssyncadd.s32 $0xFFFFD880  }
0x4b: {  	_ =	sfence.sel $0x180000  }
0x4c: {  	[bflag:$0x0] =	sbarrier.arrive $0xFFFF  }
0x4d: {  	p0 =	sne.s32 s0, $0x0;
	_ =	strace $0x9000004A  }
0x4e: {  	s0 =	sadd.s32 @!p0 $0x100000, s1;
	[bflag:$0x2] =	sbarrier.arrive $0xFFFF  }
0x4f: {  	[sflag:s0] =	ssyncadd.tile.s32 @!p0 $0x1;
	_ =	shalt  }
.Lfunc_end2:
_tile_overlayer_lowered:
.L_overlay_start_2:
0x50: {  	(tag) =	ssettag $0x2  }
0x51: {  	s0 =	rddreg [dreg:$0x0];
	s2 =	stileid.u32  }
0x52: {  	s1 =	rddreg [dreg:$0x1];
	p0 =	sne.s32 s2, $0x0  }
0x53: {  	s3 =	rddreg [dreg:$0x2];
	[bflag:$0x3] =	sbarrier.arrive $0xFFFF;
	s2 =	simm.s32 @!p0 $0x1C02  }
0x54: {  	[timem:s3], [sflag:s2] =	dma.local @!p0 [hbm:s0], s1  }
0x55: {  	s0 =	simm.s32 @!p0 $0x2  }
0x56: {  	_ =	swait.ge @!p0 [sflag:s0], s1  }
0x57: {  	s1 =	ssub.s32 @!p0 $0x0, s1;
	[sflag:s0] =	ssyncset.done @!p0 $0x0  }
0x58: {  	[sflag:s0] =	ssyncadd.s32 @!p0 s1  }
0x59: {  	[bflag:$0x3] =	sbarrier.arrive $0xFFFF  }
0x5a: {  	_ =	shalt  }

// kernel: kernel.16.cloned.1.call-start
scs
__scs_entry_jumppad:
0x0: {  	(pc) =	sbr.rel $0x88, $3  }
0x1: {  	(tag) =	ssettag $0x0;
	lr =	simm.s32 $0x1  }
0x2: {  	[smem:$0x3F94] =	sst lr;
	_ =	strace $0xD0000000  }
0x3: {  	_ = 	snop  }
0x4: {  	_ = 	snop  }
0x5: {  	_ = 	snop  }
0x6: {  	_ = 	snop  }
0x7: {  	_ = 	snop  }
__scs_overlays_trampoline_lowered:
0x8: {  	[smem:$0x3FA3] =	sst s0  }
0x9: {  	[smem:$0x3FA4] =	sst s1  }
0xa: {  	[smem:$0x3FA5] =	sst s2  }
0xb: {  	[smem:$0x3FA6] =	sst s3  }
0xc: {  	[smem:$0x3FA7] =	sst s4  }
0xd: {  	[smem:$0x3FA8] =	sst s5  }
0xe: {  	[smem:$0x3FA9] =	sst s6  }
0xf: {  	[smem:$0x3FAA] =	sst s7  }
0x10: {  	[smem:$0x3FAB] =	sst s8  }
0x11: {  	[smem:$0x3FAC] =	sst s9;
	s0 =	simm.s32 @!p0 $0x0  }
0x12: {  	s1 =	sld [smem:$0x3F92];
	s0 =	simm.s32 @p0 $0x1  }
0x13: {  	[smem:$0x3FAD] =	sst s0;
	s0 =	simm.s32 @!p1 $0x0  }
0x14: {  	s2 =	sld [smem:$0x3F91];
	s0 =	simm.s32 @p1 $0x1  }
0x15: {  	[smem:$0x3FAE] =	sst s0;
	s0 =	simm.s32 @!p2 $0x0  }
0x16: {  	s3 =	sld [smem:$0x3FDB];
	s0 =	simm.s32 @p2 $0x1  }
0x17: {  	s4 =	simm.s32 $0x1BF5;
	[smem:$0x3FB0] =	sst s0  }
0x18: {  	s0 =	sld [smem:$0x3F93];
	_ =	swait.ge [sflag:s4], $0x0  }
0x19: {  	s7 =	sld [smem:$0x3F94]  }
0x1a: {  	s8 =	sadd.s32 $0xFFFFE003, lr  }
0x1b: {  	s9 =	sadd.s32 $0xFFFFFEF7, lr;
	s5 =	simm.s32 $0xFFFFFFFF;
	p2 =	slt.u32 s8, $0xFFFFF086  }
0x1c: {  	p1 =	slt.u32 s9, $0xF7A;
	s5 =	simm.s32 @!p2 $0x0  }
0x1d: {  	s5 =	simm.s32 @p1 $0x1;
	p0 =	seq.s32 s7, s2  }
0x1e: {  	s7 =	smul.u32 @!p0 $0xF7A, s2;
	p2 =	seq.s32 @!p0 s5, $0x0  }
0x1f: {  	s9 =	smul.u32 $0xF7A, s1;
	s8 =	simm.s32 @!p0 $0x1BF5;
	p2 =	por !p2, p0  }
0x20: {  	[sflag:s8] =	ssyncset.s32 @!p0 $0xFFFFF086;
	s6 =	sadd.s32 @!p0 s3, s7;
	s7 =	simm.s32 @!p0 $0x108  }
0x21: {  	s3 =	sadd.s32 s3, s9;
	s6 =	sadd.s32 @!p0 $0x88, s6;
	s7 =	simm.s32 @p2 $0x1082  }
0x22: {  	[simem:s7], [sflag:s8] =	dma.local @!p0 [hbm:s6], $0xF7A  }
0x23: {  	s9 =	sor.u32 $0xD0000000, s2;
	s6 =	simm.s32 $0x108;
	_ =	swait.ge @!p0 [sflag:s8], $0x0  }
0x24: {  	s3 =	sadd.s32 $0x88, s3;
	s6 =	simm.s32 @!p1 $0x1082;
	[sflag:s4] =	ssyncset.s32 $0xFFFFF086  }
0x25: {  	[simem:s6], [sflag:s4] =	dma.local [hbm:s3], $0xF7A  }
0x26: {  	[smem:$0x3F94] =	sst s1;
	(tag) =	ssettag s2;
	_ =	strace s9  }
0x27: {  	s1 =	sld [smem:$0x3FA4]  }
0x28: {  	s2 =	sld [smem:$0x3FA5]  }
0x29: {  	s4 =	sld [smem:$0x3FA7]  }
0x2a: {  	p0 =	seq.s32 s5, $0x0;
	s5 =	sld [smem:$0x3FA8]  }
0x2b: {  	s6 =	sld [smem:$0x3FA9]  }
0x2c: {  	s7 =	sld [smem:$0x3FAA]  }
0x2d: {  	s3 =	simm.s32 $0x108;
	s8 =	sld [smem:$0x3FAB]  }
0x2e: {  	s3 =	simm.s32 @!p0 $0x1082;
	s9 =	sld [smem:$0x3FAC]  }
0x2f: {  	lr =	sadd.s32 s0, s3;
	s0 =	sld [smem:$0x3FA3]  }
0x30: {  	s3 =	sld [smem:$0x3FA6]  }
0x31: {  	[smem:$0x3FAF] =	sst s10  }
0x32: {  	s10 =	sld [smem:$0x3FAD];
	_ =	sdelay $0x3  }
0x33: {  	p0 =	seq.s32 s10, $0x1;
	s10 =	sld [smem:$0x3FAF];
	_ =	sdelay $0x3  }
0x34: {  	[smem:$0x3FAF] =	sst s10  }
0x35: {  	s10 =	sld [smem:$0x3FAE];
	_ =	sdelay $0x3  }
0x36: {  	p1 =	seq.s32 s10, $0x1;
	s10 =	sld [smem:$0x3FAF];
	_ =	sdelay $0x3  }
0x37: {  	[smem:$0x3FAF] =	sst s10  }
0x38: {  	s10 =	sld [smem:$0x3FB0]  }
0x39: {  	_ = 	snop;
	(pc) =	sbr.ind lr, $3  }
0x3a: {  	_ = 	snop  }
0x3b: {  	_ = 	snop  }
0x3c: {  	p2 =	seq.s32 s10, $0x1;
	s10 =	sld [smem:$0x3FAF]  }
0x3d: {  	_ =	shalt  }
0x3e: {  	_ =	shalt  }
0x3f: {  	_ =	shalt  }
0x40: {  	_ =	shalt  }
0x41: {  	_ =	shalt  }
0x42: {  	_ =	shalt  }
0x43: {  	_ =	shalt  }
0x44: {  	_ =	shalt  }
0x45: {  	_ =	shalt  }
0x46: {  	_ =	shalt  }
0x47: {  	_ =	shalt  }
0x48: {  	_ =	shalt  }
0x49: {  	_ =	shalt  }
0x4a: {  	_ =	shalt  }
0x4b: {  	_ =	shalt  }
0x4c: {  	_ =	shalt  }
0x4d: {  	_ =	shalt  }
0x4e: {  	_ =	shalt  }
0x4f: {  	_ =	shalt  }
0x50: {  	_ =	shalt  }
0x51: {  	_ =	shalt  }
0x52: {  	_ =	shalt  }
0x53: {  	_ =	shalt  }
0x54: {  	_ =	shalt  }
0x55: {  	_ =	shalt  }
0x56: {  	_ =	shalt  }
0x57: {  	_ =	shalt  }
0x58: {  	_ =	shalt  }
0x59: {  	_ =	shalt  }
0x5a: {  	_ =	shalt  }
0x5b: {  	_ =	shalt  }
0x5c: {  	_ =	shalt  }
0x5d: {  	_ =	shalt  }
0x5e: {  	_ =	shalt  }
0x5f: {  	_ =	shalt  }
0x60: {  	_ =	shalt  }
0x61: {  	_ =	shalt  }
0x62: {  	_ =	shalt  }
0x63: {  	_ =	shalt  }
0x64: {  	_ =	shalt  }
0x65: {  	_ =	shalt  }
0x66: {  	_ =	shalt  }
0x67: {  	_ =	shalt  }
0x68: {  	_ =	shalt  }
0x69: {  	_ =	shalt  }
0x6a: {  	_ =	shalt  }
0x6b: {  	_ =	shalt  }
0x6c: {  	_ =	shalt  }
0x6d: {  	_ =	shalt  }
0x6e: {  	_ =	shalt  }
0x6f: {  	_ =	shalt  }
0x70: {  	_ =	shalt  }
0x71: {  	_ =	shalt  }
0x72: {  	_ =	shalt  }
0x73: {  	_ =	shalt  }
0x74: {  	_ =	shalt  }
0x75: {  	_ =	shalt  }
0x76: {  	_ =	shalt  }
0x77: {  	_ =	shalt  }
0x78: {  	_ =	shalt  }
0x79: {  	_ =	shalt  }
0x7a: {  	_ =	shalt  }
0x7b: {  	_ =	shalt  }
0x7c: {  	_ =	shalt  }
0x7d: {  	_ =	shalt  }
0x7e: {  	_ =	shalt  }
0x7f: {  	_ =	shalt  }
0x80: {  	_ =	shalt  }
0x81: {  	_ =	shalt  }
0x82: {  	_ =	shalt  }
0x83: {  	_ =	shalt  }
0x84: {  	_ =	shalt  }
0x85: {  	_ =	shalt  }
0x86: {  	_ =	shalt  }
0x87: {  	_ =	shalt  }
.Lfunc_end0:
.L_simem_size_0:
called_computation.2_lowered:
.L_overlay_start_0:
0x88: {  	s2 =	sld [smem:$0x3FD9]  }
0x89: {  	s3 =	sld [smem:$0x3FFE];
	_ =	sdelay $0x1  }
0x8a: {  	s1 =	srdreg.scid  }
0x8b: {  	s0 =	sand.u32 $0x1, s1  }
0x8c: {  	s16 =	sshll.u32 s0, $0xA;
	s2 =	sadd.s32 s3, s2  }
0x8d: {  	s2 =	sadd.s32 s2, s16  }
0x8e: {  	[smem:$0x3FBB] =	sst s2  }
0x8f: {  	_ = 	snop  }
0x90: {  	(tm) =	ssettm $0x1  }
0x91: {  	s17 =	sld [smem:$0x3FFB];
	_ =	sdelay $0x3  }
0x92: {  	_ =	strace s17  }
0x93: {  	s2 =	sld [smem:$0x3FFC];
	_ =	sdelay $0x3  }
0x94: {  	_ =	strace s2  }
0x95: {  	s2 =	sld [smem:$0x3FFD];
	_ =	sdelay $0x3  }
0x96: {  	_ =	strace s2  }
0x97: {  	_ =	strace $0x8FFFFFFF  }
0x98: {  	s18 =	sld [smem:$0x3FDB];
	_ =	sdelay $0x1  }
0x99: {  	s19 =	simm.s32 $_scs_section_size  }
0x9a: {  	s4 =	simm.s32 $_size__tile_overlayer_lowered;
	s5 =	simm.s32 $_tile_overlayer_lowered  }
0x9b: {  	s22 =	simm.s32 $0x1BFF;
	s21 =	sshll.u32 s5, $0x1;
	s2 =	sadd.s32 s19, s18  }
0x9c: {  	s6 =	simm.s32 $0x0;
	s20 =	sshll.u32 s4, $0x1;
	s4 =	sadd.s32 s21, s2  }
0x9d: {  	[timem:s6], [sflag:s22] =	dma.local [hbm:s4], s20  }
0x9e: {  	_ =	swait.ge [sflag:s22], s20  }
0x9f: {  	s3 =	ssub.s32 $0x0, s20;
	[sflag:s22] =	ssyncset.done $0x0  }
0xa0: {  	[sflag:s22] =	ssyncadd.s32 s3;
	_ =	sdelay $0x1  }
0xa1: {  	s23 =	simm.s32 $0x1B8B  }
0xa2: {  	_ =	swait.ge [sflag:s23], $0x1  }
0xa3: {  	[sflag:s23] =	ssyncset.done $0x0  }
0xa4: {  	s25 =	simm.s32 $0x1B8E;
	s24 =	sld [smem:$0x3FFE];
	[sflag:s23] =	ssyncadd.s32 $0xFFFFFFFF  }
0xa5: {  	s26 =	simm.s32 $execute0_lowered;
	[smem:$0x3FD2] =	sst s25  }
0xa6: {  	s4 =	sshll.u32 s26, $0x1;
	_ =	strace $0x8000004C;
	[dreg:$0x1] =	wrdreg $0xFFFFFFFF  }
0xa7: {  	s28 =	simm.s32 $_size_execute0_lowered;
	s2 =	sadd.s32 s2, s4;
	[dreg:$0x0] =	wrdreg $0x0  }
0xa8: {  	s4 =	sshll.u32 s28, $0x1;
	[dreg:$0x2] =	wrdreg s2  }
0xa9: {  	[dreg:$0x3] =	wrdreg s4  }
0xaa: {  	[dreg:$0x4] =	wrdreg $0xC0  }
0xab: {  	_ =	task [dreg:s6], $0x5FFFF  }
0xac: {  	[dreg:$0x1] =	wrdreg $0xFFFFFFFF  }
0xad: {  	[dreg:$0x0] =	wrdreg $0x60  }
0xae: {  	[dreg:$0x2] =	wrdreg s24  }
0xaf: {  	[dreg:$0x3] =	wrdreg $0x41000  }
0xb0: {  	[dreg:$0x4] =	wrdreg $0x9  }
0xb1: {  	_ =	task.clear_ibuf [dreg:s6], $0x5FFFF;
	_ =	strace $0x9000004C  }
0xb2: {  	s29 =	simm.s32 $0x9;
	_ =	strace $0x8000004E  }
0xb3: {  	_ =	swait.ge [sflag:s29], $0x1  }
0xb4: {  	[sflag:s29] =	ssyncadd.s32 $0xFFFFFFFF  }
0xb5: {  	_ =	strace $0x9000004E  }
0xb6: {  	_ =	sfence  }
0xb7: {  	s30 =	sld [smem:$0x0];
	_ =	sdelay $0x2  }
0xb8: {  	s31 =	sshll.u32 s1, $0xD;
	s1 =	sshrl.u32 s1, $0x2  }
0xb9: {  	s3 =	sand.u32 $0x4000, s31;
	s1 =	sadd.s32 s1, s30  }
0xba: {  	s0 =	sor.u32 s3, s0;
	s1 =	sshll.u32 s1, $0x11  }
0xbb: {  	s0 =	sor.u32 s1, s0  }
0xbc: {  	s0 =	sadd.s32 $0x8F2B, s0  }
0xbd: {  	[sflag:s0] =	ssyncadd.remote.s32 $0x1  }
0xbe: {  	_ =	sfence.sel $0xFFFF  }
0xbf: {  	[dreg:$0x0] =	wrdreg $0xFFFFFFFF;
	(pc) =	sbr.abs _section_cstart, $3  }
0xc0: {  	[dreg:$0x1] =	wrdreg $0xFFFFFFFF  }
0xc1: {  	_ =	task.clear_ibuf [dreg:s6], $0x2FFFF;
	_ =	strace $0x9FFFFFFF  }
0xc2: {  	(tm) =	ssettm $0x7FFFFFFF  }
0xc3: {  	_ =	shalt  }
tec
execute0_lowered:
.L_overlay_start_1:
0x0: {  	(tag) =	ssettag $0x1  }
0x1: {  	s5 =	rddreg [dreg:$0x0]  }
0x2: {  	s0 =	srdreg.scid;
	s2 =	rddreg [dreg:$0x1]  }
0x3: {  	s1 =	rddreg [dreg:$0x2];
	s6 =	sand.u32 $0x1, s0  }
0x4: {  	s3 =	simm.s32 $0x0;
	s0 =	stileid.u32;
	s4 =	smul.u32 $0x27800, s6  }
0x5: {  	s13 =	simm.s32 $0x80;
	s14 =	simm.s32 $0x100;
	s7 =	smul.u32 $0x2780, s0  }
0x6: {  	s15 =	simm.s32 $0x1;
	[smem:$0x7FF] =	sst s3;
	s26 =	smul.u32 $0x13C00, s0  }
0x7: {  	s16 =	simm.s32 $0x0;
	s9 =	smul.u32 $0x13C000, s6;
	_ =	strace $0x8000004D  }
0x8: {  	s29 =	smul.u32 $0x4F000, s0;
	s6 =	ssub.s32 $0x2, s6;
	s31 =	sshll.u32 s0, $0x6  }
0x9: {  	s30 =	sshrl.u32 s6, $0x1;
	s4 =	sadd.s32 s7, s4;
	s28 =	sshrl.u32 s26, $0x3  }
0xa: {  	s7 =	sadd.s32 s26, s9;
	s9 =	sshrl.u32 s29, $0x2;
	s11 =	ssub.s32 s6, s30  }
0xb: {  	s6 =	sor.u32 $0x1C02, s31;
	s8 =	sshrl.u32 s4, $0x3;
	s4 =	sadd.s32 $0x18000, s5  }
0xc: {  	s7 =	sshrl.u32 s7, $0x3;
	s10 =	sadd.s32 s8, s5;
	s8 =	sadd.s32 s28, s5  }
0xd: {  	s12 =	sadd.s32 s9, s2;
	s7 =	sadd.s32 s7, s5;
	s5 =	sadd.s32 $0x3F200, s8  }
0xe: {  	s7 =	sadd.s32 $0x66A00, s7;
	s8 =	smax.u32 s11, $0x1;
	s9 =	sadd.s32 $0x3400, s10  }
0xf: {  	s10 =	sadd.s32 $0xE200, s10;
	s11 =	sshrl.u32 s12, $0x3;
	s12 =	simm.s32 $0x2  }
.LBB2_1:
0x10: {  	[spmem:s11], [sflag:s6] =	dma.local [hbm:s5], $0x2780  }
0x11: {  	_ =	swait.ge [sflag:s12], $0x2780  }
0x12: {  	[sflag:s12] =	ssyncset.done $0x0  }
0x13: {  	[sflag:s12] =	ssyncadd.s32 $0xFFFFD880  }
0x14: {  	s17 =	sadd.s32 $0x0, s10;
	[bflag:$0x0] =	sbarrier.arrive $0xFFFF  }
0x15: {  	[tilespmem:s3], [sflag:$0x2] =	stream.linear.gather [hbm4b:s17+s3], $0x80, $0x38;
	[tilespmem:$0x17D00] =	vst v63  }
0x16: {  	_ =	swait.ge [sflag:s12], $0x80  }
0x17: {  	[sflag:s12] =	ssyncset.done $0x0  }
0x18: {  	s31 =	sadd.s32 $0x0, s9;
	[sflag:s12] =	ssyncadd.s32 $0xFFFFFF80  }
0x19: {  	[tilespmem:s13], [sflag:$0x2] =	stream.linear.gather [hbm4b:s31+s3], $0x80, $0x38;
	[tilespmem:$0x17D00] =	vst v63  }
0x1a: {  	_ =	swait.ge [sflag:s12], $0x80  }
0x1b: {  	[sflag:s12] =	ssyncset.done $0x0  }
0x1c: {  	[sflag:s12] =	ssyncadd.s32 $0xFFFFFF80  }
0x1d: {  	[tilespmem:s14], [sflag:$0x1] =	stream.indirect.gather [hbm4b:s4+s13], $0x80, s3, s13, $0xb8;
	[tilespmem:$0x17D00] =	vst v63  }
0x1e: {  	_ =	swait.ge [sflag:s15], $0x4000  }
0x1f: {  	[sflag:s15] =	ssyncset.done $0x0  }
0x20: {  	[sflag:s15] =	ssyncadd.s32 $0xFFFFC000  }
0x21: {  	[spmem:s2] =	stream.indirect.scatter.add.f32 [tilespmem:s14], [sflag:$0x2], $0x80, s13, s13, $0xb8;
	[tilespmem:$0x17D00] =	vst v63  }
0x22: {  	_ =	swait.ge [sflag:s12], $0x4000  }
0x23: {  	s18 =	simm.s32 $0x20;
	s17 =	simm.s32 $0x10;
	[sflag:s12] =	ssyncset.done $0x0  }
.LBB2_2:
0x24: {  	s19 =	sadd.s32 s17, s10  }
0x25: {  	[sflag:s12] =	ssyncadd.s32 $0xFFFFC000;
	s20 =	smov.u32 s18;
	s21 =	sadd.s32 $0x10, s18  }
0x26: {  	[tilespmem:s3], [sflag:$0x2] =	stream.linear.gather [hbm4b:s19+s3], $0x80, $0x38;
	[tilespmem:$0x17D00] =	vst v63  }
0x27: {  	p0 =	sne.s32 s18, $0x4E0;
	_ =	swait.ge [sflag:s12], $0x80  }
0x28: {  	[sflag:s12] =	ssyncset.done $0x0  }
0x29: {  	s18 =	sadd.s32 s17, s9;
	s17 =	smov.u32 s20;
	[sflag:s12] =	ssyncadd.s32 $0xFFFFFF80  }
0x2a: {  	[tilespmem:s13], [sflag:$0x2] =	stream.linear.gather [hbm4b:s18+s3], $0x80, $0x38;
	[tilespmem:$0x17D00] =	vst v63  }
0x2b: {  	_ =	swait.ge [sflag:s12], $0x80  }
0x2c: {  	[sflag:s12] =	ssyncset.done $0x0  }
0x2d: {  	[sflag:s12] =	ssyncadd.s32 $0xFFFFFF80  }
0x2e: {  	[tilespmem:s14], [sflag:$0x1] =	stream.indirect.gather [hbm4b:s4+s13], $0x80, s3, s13, $0xb8;
	[tilespmem:$0x17D00] =	vst v63  }
0x2f: {  	_ =	swait.ge [sflag:s15], $0x4000  }
.Ltmp0:
0x30: {  	[sflag:s15] =	ssyncset.done $0x0;
	(pc) =	sbr.rel @p0 .LBB2_2-.Ltmp0, $4  }
0x31: {  	[sflag:s15] =	ssyncadd.s32 $0xFFFFC000  }
0x32: {  	[spmem:s2] =	stream.indirect.scatter.add.f32 [tilespmem:s14], [sflag:$0x2], $0x80, s13, s13, $0xb8;
	[tilespmem:$0x17D00] =	vst v63  }
0x33: {  	_ =	swait.ge [sflag:s12], $0x4000  }
0x34: {  	s18 =	smov.u32 s21;
	[sflag:s12] =	ssyncset.done $0x0  }
0x35: {  	s18 =	sadd.s32 s17, s10;
	[sflag:s12] =	ssyncadd.s32 $0xFFFFC000  }
0x36: {  	[tilespmem:s3], [sflag:$0x2] =	stream.linear.gather [hbm4b:s18+s3], $0x80, $0x38;
	[tilespmem:$0x17D00] =	vst v63  }
0x37: {  	_ =	swait.ge [sflag:s12], $0x80  }
0x38: {  	[sflag:s12] =	ssyncset.done $0x0  }
0x39: {  	s31 =	sadd.s32 s17, s9;
	[sflag:s12] =	ssyncadd.s32 $0xFFFFFF80  }
0x3a: {  	[tilespmem:s13], [sflag:$0x2] =	stream.linear.gather [hbm4b:s31+s3], $0x80, $0x38;
	[tilespmem:$0x17D00] =	vst v63  }
0x3b: {  	_ =	swait.ge [sflag:s12], $0x80  }
0x3c: {  	[sflag:s12] =	ssyncset.done $0x0  }
0x3d: {  	[sflag:s12] =	ssyncadd.s32 $0xFFFFFF80  }
0x3e: {  	[tilespmem:s14], [sflag:$0x1] =	stream.indirect.gather [hbm4b:s4+s13], $0x80, s3, s13, $0xb8;
	[tilespmem:$0x17D00] =	vst v63  }
0x3f: {  	_ =	swait.ge [sflag:s15], $0x4000  }
0x40: {  	[sflag:s15] =	ssyncset.done $0x0  }
0x41: {  	[sflag:s15] =	ssyncadd.s32 $0xFFFFC000  }
0x42: {  	[spmem:s2] =	stream.indirect.scatter.add.f32 [tilespmem:s14], [sflag:$0x2], $0x80, s13, s13, $0xb8;
	[tilespmem:$0x17D00] =	vst v63  }
0x43: {  	_ =	swait.ge [sflag:s12], $0x4000  }
0x44: {  	s16 =	sadd.s32 $0x1, s16;
	[sflag:s12] =	ssyncset.done $0x0  }
0x45: {  	p0 =	sne.s32 s16, s8;
	[sflag:s12] =	ssyncadd.s32 $0xFFFFC000  }
.Ltmp1:
0x46: {  	[bflag:$0x0] =	sbarrier.arrive $0xFFFF;
	(pc) =	sbr.rel @p0 .LBB2_1-.Ltmp1, $4  }
0x47: {  	[hbm:s7], [sflag:s6] =	dma.local [spmem:s11], $0x2780  }
0x48: {  	_ =	swait.ge [sflag:s12], $0x2780  }
0x49: {  	[sflag:s12] =	ssyncset.done $0x0  }
0x4a: {  	[sflag:s12] =	ssyncadd.s32 $0xFFFFD880  }
0x4b: {  	_ =	sfence.sel $0x180000  }
0x4c: {  	[bflag:$0x0] =	sbarrier.arrive $0xFFFF  }
0x4d: {  	p0 =	sne.s32 s0, $0x0;
	_ =	strace $0x9000004D  }
0x4e: {  	s0 =	sadd.s32 @!p0 $0x100000, s1;
	[bflag:$0x2] =	sbarrier.arrive $0xFFFF  }
0x4f: {  	[sflag:s0] =	ssyncadd.tile.s32 @!p0 $0x1;
	_ =	shalt  }
.Lfunc_end2:
_tile_overlayer_lowered:
.L_overlay_start_2:
0x50: {  	(tag) =	ssettag $0x2  }
0x51: {  	s0 =	rddreg [dreg:$0x0];
	s2 =	stileid.u32  }
0x52: {  	s1 =	rddreg [dreg:$0x1];
	p0 =	sne.s32 s2, $0x0  }
0x53: {  	s3 =	rddreg [dreg:$0x2];
	[bflag:$0x3] =	sbarrier.arrive $0xFFFF;
	s2 =	simm.s32 @!p0 $0x1C02  }
0x54: {  	[timem:s3], [sflag:s2] =	dma.local @!p0 [hbm:s0], s1  }
0x55: {  	s0 =	simm.s32 @!p0 $0x2  }
0x56: {  	_ =	swait.ge @!p0 [sflag:s0], s1  }
0x57: {  	s1 =	ssub.s32 @!p0 $0x0, s1;
	[sflag:s0] =	ssyncset.done @!p0 $0x0  }
0x58: {  	[sflag:s0] =	ssyncadd.s32 @!p0 s1  }
0x59: {  	[bflag:$0x3] =	sbarrier.arrive $0xFFFF  }
0x5a: {  	_ =	shalt  }

// kernel: kernel.19.cloned.1.call-start
scs
__scs_entry_jumppad:
0x0: {  	(pc) =	sbr.rel $0x88, $3  }
0x1: {  	(tag) =	ssettag $0x0;
	lr =	simm.s32 $0x1  }
0x2: {  	[smem:$0x3F94] =	sst lr;
	_ =	strace $0xD0000000  }
0x3: {  	_ = 	snop  }
0x4: {  	_ = 	snop  }
0x5: {  	_ = 	snop  }
0x6: {  	_ = 	snop  }
0x7: {  	_ = 	snop  }
__scs_overlays_trampoline_lowered:
0x8: {  	[smem:$0x3FA3] =	sst s0  }
0x9: {  	[smem:$0x3FA4] =	sst s1  }
0xa: {  	[smem:$0x3FA5] =	sst s2  }
0xb: {  	[smem:$0x3FA6] =	sst s3  }
0xc: {  	[smem:$0x3FA7] =	sst s4  }
0xd: {  	[smem:$0x3FA8] =	sst s5  }
0xe: {  	[smem:$0x3FA9] =	sst s6  }
0xf: {  	[smem:$0x3FAA] =	sst s7  }
0x10: {  	[smem:$0x3FAB] =	sst s8  }
0x11: {  	[smem:$0x3FAC] =	sst s9;
	s0 =	simm.s32 @!p0 $0x0  }
0x12: {  	s1 =	sld [smem:$0x3F92];
	s0 =	simm.s32 @p0 $0x1  }
0x13: {  	[smem:$0x3FAD] =	sst s0;
	s0 =	simm.s32 @!p1 $0x0  }
0x14: {  	s2 =	sld [smem:$0x3F91];
	s0 =	simm.s32 @p1 $0x1  }
0x15: {  	[smem:$0x3FAE] =	sst s0;
	s0 =	simm.s32 @!p2 $0x0  }
0x16: {  	s3 =	sld [smem:$0x3FDB];
	s0 =	simm.s32 @p2 $0x1  }
0x17: {  	s4 =	simm.s32 $0x1BF5;
	[smem:$0x3FB0] =	sst s0  }
0x18: {  	s0 =	sld [smem:$0x3F93];
	_ =	swait.ge [sflag:s4], $0x0  }
0x19: {  	s7 =	sld [smem:$0x3F94]  }
0x1a: {  	s8 =	sadd.s32 $0xFFFFE003, lr  }
0x1b: {  	s9 =	sadd.s32 $0xFFFFFEF7, lr;
	s5 =	simm.s32 $0xFFFFFFFF;
	p2 =	slt.u32 s8, $0xFFFFF086  }
0x1c: {  	p1 =	slt.u32 s9, $0xF7A;
	s5 =	simm.s32 @!p2 $0x0  }
0x1d: {  	s5 =	simm.s32 @p1 $0x1;
	p0 =	seq.s32 s7, s2  }
0x1e: {  	s7 =	smul.u32 @!p0 $0xF7A, s2;
	p2 =	seq.s32 @!p0 s5, $0x0  }
0x1f: {  	s9 =	smul.u32 $0xF7A, s1;
	s8 =	simm.s32 @!p0 $0x1BF5;
	p2 =	por !p2, p0  }
0x20: {  	[sflag:s8] =	ssyncset.s32 @!p0 $0xFFFFF086;
	s6 =	sadd.s32 @!p0 s3, s7;
	s7 =	simm.s32 @!p0 $0x108  }
0x21: {  	s3 =	sadd.s32 s3, s9;
	s6 =	sadd.s32 @!p0 $0x88, s6;
	s7 =	simm.s32 @p2 $0x1082  }
0x22: {  	[simem:s7], [sflag:s8] =	dma.local @!p0 [hbm:s6], $0xF7A  }
0x23: {  	s9 =	sor.u32 $0xD0000000, s2;
	s6 =	simm.s32 $0x108;
	_ =	swait.ge @!p0 [sflag:s8], $0x0  }
0x24: {  	s3 =	sadd.s32 $0x88, s3;
	s6 =	simm.s32 @!p1 $0x1082;
	[sflag:s4] =	ssyncset.s32 $0xFFFFF086  }
0x25: {  	[simem:s6], [sflag:s4] =	dma.local [hbm:s3], $0xF7A  }
0x26: {  	[smem:$0x3F94] =	sst s1;
	(tag) =	ssettag s2;
	_ =	strace s9  }
0x27: {  	s1 =	sld [smem:$0x3FA4]  }
0x28: {  	s2 =	sld [smem:$0x3FA5]  }
0x29: {  	s4 =	sld [smem:$0x3FA7]  }
0x2a: {  	p0 =	seq.s32 s5, $0x0;
	s5 =	sld [smem:$0x3FA8]  }
0x2b: {  	s6 =	sld [smem:$0x3FA9]  }
0x2c: {  	s7 =	sld [smem:$0x3FAA]  }
0x2d: {  	s3 =	simm.s32 $0x108;
	s8 =	sld [smem:$0x3FAB]  }
0x2e: {  	s3 =	simm.s32 @!p0 $0x1082;
	s9 =	sld [smem:$0x3FAC]  }
0x2f: {  	lr =	sadd.s32 s0, s3;
	s0 =	sld [smem:$0x3FA3]  }
0x30: {  	s3 =	sld [smem:$0x3FA6]  }
0x31: {  	[smem:$0x3FAF] =	sst s10  }
0x32: {  	s10 =	sld [smem:$0x3FAD];
	_ =	sdelay $0x3  }
0x33: {  	p0 =	seq.s32 s10, $0x1;
	s10 =	sld [smem:$0x3FAF];
	_ =	sdelay $0x3  }
0x34: {  	[smem:$0x3FAF] =	sst s10  }
0x35: {  	s10 =	sld [smem:$0x3FAE];
	_ =	sdelay $0x3  }
0x36: {  	p1 =	seq.s32 s10, $0x1;
	s10 =	sld [smem:$0x3FAF];
	_ =	sdelay $0x3  }
0x37: {  	[smem:$0x3FAF] =	sst s10  }
0x38: {  	s10 =	sld [smem:$0x3FB0]  }
0x39: {  	_ = 	snop;
	(pc) =	sbr.ind lr, $3  }
0x3a: {  	_ = 	snop  }
0x3b: {  	_ = 	snop  }
0x3c: {  	p2 =	seq.s32 s10, $0x1;
	s10 =	sld [smem:$0x3FAF]  }
0x3d: {  	_ =	shalt  }
0x3e: {  	_ =	shalt  }
0x3f: {  	_ =	shalt  }
0x40: {  	_ =	shalt  }
0x41: {  	_ =	shalt  }
0x42: {  	_ =	shalt  }
0x43: {  	_ =	shalt  }
0x44: {  	_ =	shalt  }
0x45: {  	_ =	shalt  }
0x46: {  	_ =	shalt  }
0x47: {  	_ =	shalt  }
0x48: {  	_ =	shalt  }
0x49: {  	_ =	shalt  }
0x4a: {  	_ =	shalt  }
0x4b: {  	_ =	shalt  }
0x4c: {  	_ =	shalt  }
0x4d: {  	_ =	shalt  }
0x4e: {  	_ =	shalt  }
0x4f: {  	_ =	shalt  }
0x50: {  	_ =	shalt  }
0x51: {  	_ =	shalt  }
0x52: {  	_ =	shalt  }
0x53: {  	_ =	shalt  }
0x54: {  	_ =	shalt  }
0x55: {  	_ =	shalt  }
0x56: {  	_ =	shalt  }
0x57: {  	_ =	shalt  }
0x58: {  	_ =	shalt  }
0x59: {  	_ =	shalt  }
0x5a: {  	_ =	shalt  }
0x5b: {  	_ =	shalt  }
0x5c: {  	_ =	shalt  }
0x5d: {  	_ =	shalt  }
0x5e: {  	_ =	shalt  }
0x5f: {  	_ =	shalt  }
0x60: {  	_ =	shalt  }
0x61: {  	_ =	shalt  }
0x62: {  	_ =	shalt  }
0x63: {  	_ =	shalt  }
0x64: {  	_ =	shalt  }
0x65: {  	_ =	shalt  }
0x66: {  	_ =	shalt  }
0x67: {  	_ =	shalt  }
0x68: {  	_ =	shalt  }
0x69: {  	_ =	shalt  }
0x6a: {  	_ =	shalt  }
0x6b: {  	_ =	shalt  }
0x6c: {  	_ =	shalt  }
0x6d: {  	_ =	shalt  }
0x6e: {  	_ =	shalt  }
0x6f: {  	_ =	shalt  }
0x70: {  	_ =	shalt  }
0x71: {  	_ =	shalt  }
0x72: {  	_ =	shalt  }
0x73: {  	_ =	shalt  }
0x74: {  	_ =	shalt  }
0x75: {  	_ =	shalt  }
0x76: {  	_ =	shalt  }
0x77: {  	_ =	shalt  }
0x78: {  	_ =	shalt  }
0x79: {  	_ =	shalt  }
0x7a: {  	_ =	shalt  }
0x7b: {  	_ =	shalt  }
0x7c: {  	_ =	shalt  }
0x7d: {  	_ =	shalt  }
0x7e: {  	_ =	shalt  }
0x7f: {  	_ =	shalt  }
0x80: {  	_ =	shalt  }
0x81: {  	_ =	shalt  }
0x82: {  	_ =	shalt  }
0x83: {  	_ =	shalt  }
0x84: {  	_ =	shalt  }
0x85: {  	_ =	shalt  }
0x86: {  	_ =	shalt  }
0x87: {  	_ =	shalt  }
.Lfunc_end0:
.L_simem_size_0:
called_computation.3_lowered:
.L_overlay_start_0:
0x88: {  	s2 =	sld [smem:$0x3FD9]  }
0x89: {  	s3 =	sld [smem:$0x3FFE];
	_ =	sdelay $0x1  }
0x8a: {  	s1 =	srdreg.scid  }
0x8b: {  	s0 =	sand.u32 $0x1, s1  }
0x8c: {  	s16 =	sshll.u32 s0, $0xA;
	s2 =	sadd.s32 s3, s2  }
0x8d: {  	s2 =	sadd.s32 s2, s16  }
0x8e: {  	[smem:$0x3FBB] =	sst s2  }
0x8f: {  	_ = 	snop  }
0x90: {  	(tm) =	ssettm $0x1  }
0x91: {  	s17 =	sld [smem:$0x3FFB];
	_ =	sdelay $0x3  }
0x92: {  	_ =	strace s17  }
0x93: {  	s2 =	sld [smem:$0x3FFC];
	_ =	sdelay $0x3  }
0x94: {  	_ =	strace s2  }
0x95: {  	s2 =	sld [smem:$0x3FFD];
	_ =	sdelay $0x3  }
0x96: {  	_ =	strace s2  }
0x97: {  	_ =	strace $0x8FFFFFFF  }
0x98: {  	s18 =	sld [smem:$0x3FDB];
	_ =	sdelay $0x1  }
0x99: {  	s19 =	simm.s32 $_scs_section_size  }
0x9a: {  	s4 =	simm.s32 $_size__tile_overlayer_lowered;
	s5 =	simm.s32 $_tile_overlayer_lowered  }
0x9b: {  	s22 =	simm.s32 $0x1BFF;
	s21 =	sshll.u32 s5, $0x1;
	s2 =	sadd.s32 s19, s18  }
0x9c: {  	s6 =	simm.s32 $0x0;
	s20 =	sshll.u32 s4, $0x1;
	s4 =	sadd.s32 s21, s2  }
0x9d: {  	[timem:s6], [sflag:s22] =	dma.local [hbm:s4], s20  }
0x9e: {  	_ =	swait.ge [sflag:s22], s20  }
0x9f: {  	s3 =	ssub.s32 $0x0, s20;
	[sflag:s22] =	ssyncset.done $0x0  }
0xa0: {  	[sflag:s22] =	ssyncadd.s32 s3;
	_ =	sdelay $0x1  }
0xa1: {  	s23 =	simm.s32 $0x1B8B  }
0xa2: {  	_ =	swait.ge [sflag:s23], $0x1  }
0xa3: {  	[sflag:s23] =	ssyncset.done $0x0  }
0xa4: {  	s25 =	simm.s32 $0x1B8E;
	s24 =	sld [smem:$0x3FFE];
	[sflag:s23] =	ssyncadd.s32 $0xFFFFFFFF  }
0xa5: {  	s26 =	simm.s32 $execute0_lowered;
	[smem:$0x3FD2] =	sst s25  }
0xa6: {  	s4 =	sshll.u32 s26, $0x1;
	_ =	strace $0x8000004F;
	[dreg:$0x1] =	wrdreg $0xFFFFFFFF  }
0xa7: {  	s28 =	simm.s32 $_size_execute0_lowered;
	s2 =	sadd.s32 s2, s4;
	[dreg:$0x0] =	wrdreg $0x0  }
0xa8: {  	s4 =	sshll.u32 s28, $0x1;
	[dreg:$0x2] =	wrdreg s2  }
0xa9: {  	[dreg:$0x3] =	wrdreg s4  }
0xaa: {  	[dreg:$0x4] =	wrdreg $0xC0  }
0xab: {  	_ =	task [dreg:s6], $0x5FFFF  }
0xac: {  	[dreg:$0x1] =	wrdreg $0xFFFFFFFF  }
0xad: {  	[dreg:$0x0] =	wrdreg $0x60  }
0xae: {  	[dreg:$0x2] =	wrdreg s24  }
0xaf: {  	[dreg:$0x3] =	wrdreg $0x41000  }
0xb0: {  	[dreg:$0x4] =	wrdreg $0x9  }
0xb1: {  	_ =	task.clear_ibuf [dreg:s6], $0x5FFFF;
	_ =	strace $0x9000004F  }
0xb2: {  	s29 =	simm.s32 $0x9;
	_ =	strace $0x80000051  }
0xb3: {  	_ =	swait.ge [sflag:s29], $0x1  }
0xb4: {  	[sflag:s29] =	ssyncadd.s32 $0xFFFFFFFF  }
0xb5: {  	_ =	strace $0x90000051  }
0xb6: {  	_ =	sfence  }
0xb7: {  	s30 =	sld [smem:$0x0];
	_ =	sdelay $0x2  }
0xb8: {  	s31 =	sshll.u32 s1, $0xD;
	s1 =	sshrl.u32 s1, $0x2  }
0xb9: {  	s3 =	sand.u32 $0x4000, s31;
	s1 =	sadd.s32 s1, s30  }
0xba: {  	s0 =	sor.u32 s3, s0;
	s1 =	sshll.u32 s1, $0x11  }
0xbb: {  	s0 =	sor.u32 s1, s0  }
0xbc: {  	s0 =	sadd.s32 $0x8F2B, s0  }
0xbd: {  	[sflag:s0] =	ssyncadd.remote.s32 $0x1  }
0xbe: {  	_ =	sfence.sel $0xFFFF  }
0xbf: {  	[dreg:$0x0] =	wrdreg $0xFFFFFFFF;
	(pc) =	sbr.abs _section_cstart, $3  }
0xc0: {  	[dreg:$0x1] =	wrdreg $0xFFFFFFFF  }
0xc1: {  	_ =	task.clear_ibuf [dreg:s6], $0x2FFFF;
	_ =	strace $0x9FFFFFFF  }
0xc2: {  	(tm) =	ssettm $0x7FFFFFFF  }
0xc3: {  	_ =	shalt  }
tec
execute0_lowered:
.L_overlay_start_1:
0x0: {  	(tag) =	ssettag $0x1  }
0x1: {  	s5 =	rddreg [dreg:$0x0]  }
0x2: {  	s0 =	srdreg.scid;
	s2 =	rddreg [dreg:$0x1]  }
0x3: {  	s1 =	rddreg [dreg:$0x2];
	s6 =	sand.u32 $0x1, s0  }
0x4: {  	s3 =	simm.s32 $0x0;
	s0 =	stileid.u32;
	s4 =	smul.u32 $0x27800, s6  }
0x5: {  	s13 =	simm.s32 $0x80;
	s14 =	simm.s32 $0x100;
	s7 =	smul.u32 $0x2780, s0  }
0x6: {  	s15 =	simm.s32 $0x1;
	[smem:$0x7FF] =	sst s3;
	s26 =	smul.u32 $0x13C00, s0  }
0x7: {  	s16 =	simm.s32 $0x0;
	s9 =	smul.u32 $0x13C000, s6;
	_ =	strace $0x80000050  }
0x8: {  	s29 =	smul.u32 $0x4F000, s0;
	s6 =	ssub.s32 $0x2, s6;
	s31 =	sshll.u32 s0, $0x6  }
0x9: {  	s30 =	sshrl.u32 s6, $0x1;
	s4 =	sadd.s32 s7, s4;
	s28 =	sshrl.u32 s26, $0x3  }
0xa: {  	s7 =	sadd.s32 s26, s9;
	s9 =	sshrl.u32 s29, $0x2;
	s11 =	ssub.s32 s6, s30  }
0xb: {  	s6 =	sor.u32 $0x1C02, s31;
	s8 =	sshrl.u32 s4, $0x3;
	s4 =	sadd.s32 $0x18000, s5  }
0xc: {  	s7 =	sshrl.u32 s7, $0x3;
	s10 =	sadd.s32 s8, s5;
	s8 =	sadd.s32 s28, s5  }
0xd: {  	s12 =	sadd.s32 s9, s2;
	s7 =	sadd.s32 s7, s5;
	s5 =	sadd.s32 $0x3F200, s8  }
0xe: {  	s7 =	sadd.s32 $0x66A00, s7;
	s8 =	smax.u32 s11, $0x1;
	s9 =	sadd.s32 $0x3400, s10  }
0xf: {  	s10 =	sadd.s32 $0xE200, s10;
	s11 =	sshrl.u32 s12, $0x3;
	s12 =	simm.s32 $0x2  }
.LBB2_1:
0x10: {  	[spmem:s11], [sflag:s6] =	dma.local [hbm:s5], $0x2780  }
0x11: {  	_ =	swait.ge [sflag:s12], $0x2780  }
0x12: {  	[sflag:s12] =	ssyncset.done $0x0  }
0x13: {  	[sflag:s12] =	ssyncadd.s32 $0xFFFFD880  }
0x14: {  	s17 =	sadd.s32 $0x0, s10;
	[bflag:$0x0] =	sbarrier.arrive $0xFFFF  }
0x15: {  	[tilespmem:s3], [sflag:$0x2] =	stream.linear.gather [hbm4b:s17+s3], $0x80, $0x38;
	[tilespmem:$0x17D00] =	vst v63  }
0x16: {  	_ =	swait.ge [sflag:s12], $0x80  }
0x17: {  	[sflag:s12] =	ssyncset.done $0x0  }
0x18: {  	s31 =	sadd.s32 $0x0, s9;
	[sflag:s12] =	ssyncadd.s32 $0xFFFFFF80  }
0x19: {  	[tilespmem:s13], [sflag:$0x2] =	stream.linear.gather [hbm4b:s31+s3], $0x80, $0x38;
	[tilespmem:$0x17D00] =	vst v63  }
0x1a: {  	_ =	swait.ge [sflag:s12], $0x80  }
0x1b: {  	[sflag:s12] =	ssyncset.done $0x0  }
0x1c: {  	[sflag:s12] =	ssyncadd.s32 $0xFFFFFF80  }
0x1d: {  	[tilespmem:s14], [sflag:$0x1] =	stream.indirect.gather [hbm4b:s4+s13], $0x80, s3, s13, $0xb8;
	[tilespmem:$0x17D00] =	vst v63  }
0x1e: {  	_ =	swait.ge [sflag:s15], $0x4000  }
0x1f: {  	[sflag:s15] =	ssyncset.done $0x0  }
0x20: {  	[sflag:s15] =	ssyncadd.s32 $0xFFFFC000  }
0x21: {  	[spmem:s2] =	stream.indirect.scatter.add.f32 [tilespmem:s14], [sflag:$0x2], $0x80, s13, s13, $0xb8;
	[tilespmem:$0x17D00] =	vst v63  }
0x22: {  	_ =	swait.ge [sflag:s12], $0x4000  }
0x23: {  	s18 =	simm.s32 $0x20;
	s17 =	simm.s32 $0x10;
	[sflag:s12] =	ssyncset.done $0x0  }
.LBB2_2:
0x24: {  	s19 =	sadd.s32 s17, s10  }
0x25: {  	[sflag:s12] =	ssyncadd.s32 $0xFFFFC000;
	s20 =	smov.u32 s18;
	s21 =	sadd.s32 $0x10, s18  }
0x26: {  	[tilespmem:s3], [sflag:$0x2] =	stream.linear.gather [hbm4b:s19+s3], $0x80, $0x38;
	[tilespmem:$0x17D00] =	vst v63  }
0x27: {  	p0 =	sne.s32 s18, $0x4E0;
	_ =	swait.ge [sflag:s12], $0x80  }
0x28: {  	[sflag:s12] =	ssyncset.done $0x0  }
0x29: {  	s18 =	sadd.s32 s17, s9;
	s17 =	smov.u32 s20;
	[sflag:s12] =	ssyncadd.s32 $0xFFFFFF80  }
0x2a: {  	[tilespmem:s13], [sflag:$0x2] =	stream.linear.gather [hbm4b:s18+s3], $0x80, $0x38;
	[tilespmem:$0x17D00] =	vst v63  }
0x2b: {  	_ =	swait.ge [sflag:s12], $0x80  }
0x2c: {  	[sflag:s12] =	ssyncset.done $0x0  }
0x2d: {  	[sflag:s12] =	ssyncadd.s32 $0xFFFFFF80  }
0x2e: {  	[tilespmem:s14], [sflag:$0x1] =	stream.indirect.gather [hbm4b:s4+s13], $0x80, s3, s13, $0xb8;
	[tilespmem:$0x17D00] =	vst v63  }
0x2f: {  	_ =	swait.ge [sflag:s15], $0x4000  }
.Ltmp0:
0x30: {  	[sflag:s15] =	ssyncset.done $0x0;
	(pc) =	sbr.rel @p0 .LBB2_2-.Ltmp0, $4  }
0x31: {  	[sflag:s15] =	ssyncadd.s32 $0xFFFFC000  }
0x32: {  	[spmem:s2] =	stream.indirect.scatter.add.f32 [tilespmem:s14], [sflag:$0x2], $0x80, s13, s13, $0xb8;
	[tilespmem:$0x17D00] =	vst v63  }
0x33: {  	_ =	swait.ge [sflag:s12], $0x4000  }
0x34: {  	s18 =	smov.u32 s21;
	[sflag:s12] =	ssyncset.done $0x0  }
0x35: {  	s18 =	sadd.s32 s17, s10;
	[sflag:s12] =	ssyncadd.s32 $0xFFFFC000  }
0x36: {  	[tilespmem:s3], [sflag:$0x2] =	stream.linear.gather [hbm4b:s18+s3], $0x80, $0x38;
	[tilespmem:$0x17D00] =	vst v63  }
0x37: {  	_ =	swait.ge [sflag:s12], $0x80  }
0x38: {  	[sflag:s12] =	ssyncset.done $0x0  }
0x39: {  	s31 =	sadd.s32 s17, s9;
	[sflag:s12] =	ssyncadd.s32 $0xFFFFFF80  }
0x3a: {  	[tilespmem:s13], [sflag:$0x2] =	stream.linear.gather [hbm4b:s31+s3], $0x80, $0x38;
	[tilespmem:$0x17D00] =	vst v63  }
0x3b: {  	_ =	swait.ge [sflag:s12], $0x80  }
0x3c: {  	[sflag:s12] =	ssyncset.done $0x0  }
0x3d: {  	[sflag:s12] =	ssyncadd.s32 $0xFFFFFF80  }
0x3e: {  	[tilespmem:s14], [sflag:$0x1] =	stream.indirect.gather [hbm4b:s4+s13], $0x80, s3, s13, $0xb8;
	[tilespmem:$0x17D00] =	vst v63  }
0x3f: {  	_ =	swait.ge [sflag:s15], $0x4000  }
0x40: {  	[sflag:s15] =	ssyncset.done $0x0  }
0x41: {  	[sflag:s15] =	ssyncadd.s32 $0xFFFFC000  }
0x42: {  	[spmem:s2] =	stream.indirect.scatter.add.f32 [tilespmem:s14], [sflag:$0x2], $0x80, s13, s13, $0xb8;
	[tilespmem:$0x17D00] =	vst v63  }
0x43: {  	_ =	swait.ge [sflag:s12], $0x4000  }
0x44: {  	s16 =	sadd.s32 $0x1, s16;
	[sflag:s12] =	ssyncset.done $0x0  }
0x45: {  	p0 =	sne.s32 s16, s8;
	[sflag:s12] =	ssyncadd.s32 $0xFFFFC000  }
.Ltmp1:
0x46: {  	[bflag:$0x0] =	sbarrier.arrive $0xFFFF;
	(pc) =	sbr.rel @p0 .LBB2_1-.Ltmp1, $4  }
0x47: {  	[hbm:s7], [sflag:s6] =	dma.local [spmem:s11], $0x2780  }
0x48: {  	_ =	swait.ge [sflag:s12], $0x2780  }
0x49: {  	[sflag:s12] =	ssyncset.done $0x0  }
0x4a: {  	[sflag:s12] =	ssyncadd.s32 $0xFFFFD880  }
0x4b: {  	_ =	sfence.sel $0x180000  }
0x4c: {  	[bflag:$0x0] =	sbarrier.arrive $0xFFFF  }
0x4d: {  	p0 =	sne.s32 s0, $0x0;
	_ =	strace $0x90000050  }
0x4e: {  	s0 =	sadd.s32 @!p0 $0x100000, s1;
	[bflag:$0x2] =	sbarrier.arrive $0xFFFF  }
0x4f: {  	[sflag:s0] =	ssyncadd.tile.s32 @!p0 $0x1;
	_ =	shalt  }
.Lfunc_end2:
_tile_overlayer_lowered:
.L_overlay_start_2:
0x50: {  	(tag) =	ssettag $0x2  }
0x51: {  	s0 =	rddreg [dreg:$0x0];
	s2 =	stileid.u32  }
0x52: {  	s1 =	rddreg [dreg:$0x1];
	p0 =	sne.s32 s2, $0x0  }
0x53: {  	s3 =	rddreg [dreg:$0x2];
	[bflag:$0x3] =	sbarrier.arrive $0xFFFF;
	s2 =	simm.s32 @!p0 $0x1C02  }
0x54: {  	[timem:s3], [sflag:s2] =	dma.local @!p0 [hbm:s0], s1  }
0x55: {  	s0 =	simm.s32 @!p0 $0x2  }
0x56: {  	_ =	swait.ge @!p0 [sflag:s0], s1  }
0x57: {  	s1 =	ssub.s32 @!p0 $0x0, s1;
	[sflag:s0] =	ssyncset.done @!p0 $0x0  }
0x58: {  	[sflag:s0] =	ssyncadd.s32 @!p0 s1  }
0x59: {  	[bflag:$0x3] =	sbarrier.arrive $0xFFFF  }
0x5a: {  	_ =	shalt  }

</sc_bundles>
